<compile_context>
chip_gen: v7x
topology: tpu7x:2x2x1
jax: 0.10.2.dev20260603
libtpu: 0.0.44.dev20260713+nightly
codegen_flags: <defaults>
</compile_context>

<pallas_src>
import functools

import jax
import jax.numpy as jnp
from jax import lax
from jax.experimental import pallas as pl
from jax.experimental.pallas import tpu as pltpu
from jax.experimental.pallas import tpu_sc as plsc

F = 26
V = 100000
D = 64
B = 4096
NC = 2
NS = 16
NW = NC * NS
DPW = D // NW
NG = B // 16
HV = V // 2

_mesh = plsc.VectorSubcoreMesh(core_axis_name="c", subcore_axis_name="s")
_params = pltpu.CompilerParams(needs_layout_passes=False)


@functools.partial(
    pl.kernel,
    mesh=_mesh,
    compiler_params=_params,
    out_type=jax.ShapeDtypeStruct((NW, B), jnp.float32),
    scratch_types=[
        pltpu.VMEM((V,), jnp.float32),
        pltpu.VMEM((B,), jnp.int32),
        pltpu.VMEM((B,), jnp.float32),
        pltpu.VMEM((B,), jnp.float32),
        pltpu.VMEM((B,), jnp.float32),
        pltpu.VMEM((B,), jnp.float32),
        pltpu.SemaphoreType.DMA,
        pltpu.SemaphoreType.DMA,
    ],
)
def _fm_part(emb_hbm, xt_hbm, lin_hbm, out_hbm,
             row_v, xidx, s0, s1, t, part, sem0, sem1):
    w = lax.axis_index("s") * NC + lax.axis_index("c")
    d0 = w * DPW

    zero = jnp.zeros((16,), jnp.float32)

    @plsc.parallel_loop(0, NG, unroll=8)
    def _(g):
        sl = pl.ds(g * 16, 16)
        s0[sl] = zero
        s1[sl] = zero
        t[sl] = zero

    def row_accum(s_ref):
        @plsc.parallel_loop(0, NG, unroll=16)
        def _(g):
            sl = pl.ds(g * 16, 16)
            e = plsc.load_gather(row_v, [xidx[sl]])
            s_ref[sl] = s_ref[sl] + e
            t[sl] = t[sl] + e * e

    def field_body(f, _):
        pltpu.sync_copy(xt_hbm.at[f], xidx)
        pltpu.sync_copy(emb_hbm.at[f * D + d0], row_v)
        row_accum(s0)
        pltpu.sync_copy(emb_hbm.at[f * D + d0 + 1], row_v)
        row_accum(s1)
        return 0

    lax.fori_loop(0, F, field_body, 0)

    @plsc.parallel_loop(0, NG, unroll=8)
    def _(g):
        sl = pl.ds(g * 16, 16)
        a, b_, c = s0[sl], s1[sl], t[sl]
        part[sl] = 0.5 * (a * a + b_ * b_ - c)

    @pl.when(w < F)
    def _():
        pltpu.sync_copy(xt_hbm.at[w], xidx)
        pltpu.sync_copy(lin_hbm.at[w], row_v)

        @plsc.parallel_loop(0, NG, unroll=8)
        def _(g):
            sl = pl.ds(g * 16, 16)
            part[sl] = part[sl] + plsc.load_gather(row_v, [xidx[sl]])

    pltpu.sync_copy(part, out_hbm.at[w])


def _combine_body(parts_ref, bias_ref, out_ref):
    acc = jnp.sum(parts_ref[...], axis=0, keepdims=True) + bias_ref[0, 0]
    out_ref[...] = 1.0 / (1.0 + jnp.exp(-acc))


_fm_combine = pl.pallas_call(
    _combine_body,
    out_shape=jax.ShapeDtypeStruct((1, B), jnp.float32),
)


def kernel(x, emb_tables, lin_tables, bias):
    emb_t = jnp.swapaxes(emb_tables, 1, 2).reshape(F * D, V)
    xt = x.T.astype(jnp.int32)
    lin2d = lin_tables.reshape(F, V)
    parts = _fm_part(emb_t, xt, lin2d)
    out = _fm_combine(parts, bias.reshape(1, 1))
    return out.reshape(B, 1)

# --- scband reference (transcript-rebuilt; emitter-appended) ---
"""Pipeline reference for scband-factorization-machine-9552007266585 (READ-ONLY COPY).

The authoritative reference and input builder live on the scoring server;
editing this copy changes nothing except your own understanding.
"""

import jax, jax.numpy as jnp
import numpy as np

NUM_FIELDS = 26
VOCAB = 100000
EMBED_DIM = 64
BATCH = 4096


def setup_inputs(seed: int = 0) -> dict:
    key = jax.random.key(seed)
    k1, k2, k3 = jax.random.split(key, 3)
    x = jax.random.randint(k1, (BATCH, NUM_FIELDS), 0, VOCAB)
    # One embedding table per field, stacked: [F, vocab, D]
    emb_tables = jax.random.normal(k2, (NUM_FIELDS, VOCAB, EMBED_DIM), dtype=jnp.float32) * 0.01
    # Linear (first-order) tables: [F, vocab, 1]
    lin_tables = jax.random.normal(k3, (NUM_FIELDS, VOCAB, 1), dtype=jnp.float32) * 0.01
    bias = jnp.zeros((1,), dtype=jnp.float32)
    return {"x": x, "emb_tables": emb_tables, "lin_tables": lin_tables, "bias": bias}


def reference(x, emb_tables, lin_tables, bias):
    # Per-field embedding lookup. emb_tables[i, x[:, i]] for each field i,
    # vectorized via advanced indexing: [F] x [B, F] -> [B, F, D]
    field_idx = jnp.arange(NUM_FIELDS)
    embed_x = emb_tables[field_idx, x]          # [B, F, D]
    lin_x = lin_tables[field_idx, x]            # [B, F, 1]
    linear_part = bias + jnp.sum(lin_x, axis=1)  # [B, 1]
    sum_square = jnp.sum(embed_x, axis=1) ** 2   # [B, D]
    square_sum = jnp.sum(embed_x ** 2, axis=1)   # [B, D]
    interaction_part = 0.5 * jnp.sum(sum_square - square_sum, axis=1, keepdims=True)  # [B, 1]
    output = linear_part + interaction_part
    return jax.nn.sigmoid(output)

if __name__ == "__main__":
    import jax
    _d = setup_inputs()
    print(jax.jit(kernel)(*tuple(_d.values())))

</pallas_src>

<mosaic_0001>
#map = affine_map<(d0, d1) -> (0, 0)>
module attributes {stable_mosaic.version = 14 : i64} {
  func.func @_fm_part(%arg0: i32, %arg1: i32, %arg2: memref<1664x100000xf32, #tpu.memory_space<hbm>>, %arg3: memref<26x4096xi32, #tpu.memory_space<hbm>>, %arg4: memref<26x100000xf32, #tpu.memory_space<hbm>>, %arg5: memref<32x4096xf32, #tpu.memory_space<hbm>>, %arg6: memref<100000xf32, #tpu.memory_space<vmem>>, %arg7: memref<4096xi32, #tpu.memory_space<vmem>>, %arg8: memref<4096xf32, #tpu.memory_space<vmem>>, %arg9: memref<4096xf32, #tpu.memory_space<vmem>>, %arg10: memref<4096xf32, #tpu.memory_space<vmem>>, %arg11: memref<4096xf32, #tpu.memory_space<vmem>>, %arg12: memref<!tpu.dma_semaphore, #tpu.memory_space<semaphore_mem>>, %arg13: memref<!tpu.dma_semaphore, #tpu.memory_space<semaphore_mem>>) attributes {dimension_semantics = [#tpu.dimension_semantics<core_parallel>, #tpu.dimension_semantics<subcore_parallel>], iteration_bounds = array<i64: 2, 16>, scalar_prefetch = 0 : i64, scratch_operands = 8 : i64, tpu.core_type = #tpu.core_type<sc_vector_subcore>, window_params = [{transform_indices = #map}, {transform_indices = #map}, {transform_indices = #map}, {transform_indices = #map}]} {
    %mul3A = arith.constant 2 : i32
    %mul3A_0 = arith.muli %arg1, %mul3A : i32
    %add3A = arith.addi %mul3A_0, %arg0 : i32
    %mul3A_1 = arith.constant 2 : i32
    %mul3A_2 = arith.muli %add3A, %mul3A_1 : i32
    %broadcast_in_dim3A = arith.constant 0.000000e+00 : f32
    %broadcast_in_dim3A_3 = vector.broadcast %broadcast_in_dim3A : f32 to vector<16xf32>
    %parallel_loop3A = arith.constant 0 : i32
    %parallel_loop3A_4 = arith.constant 256 : i32
    %parallel_loop3A_5 = arith.constant 1 : i32
    scf.for %parallel_loop3A_17 = %parallel_loop3A to %parallel_loop3A_4 step %parallel_loop3A_5  : i32 {
      %parallel_loop3A_18 = arith.constant 16 : i32
      %parallel_loop3A_19 = arith.muli %parallel_loop3A_17, %parallel_loop3A_18 : i32
      %parallel_loop3A_20 = arith.index_cast %parallel_loop3A_19 : i32 to index
      %parallel_loop3A_21 = tpu.vector_load %arg8[%parallel_loop3A_20] {strides = array<i32>} : memref<4096xf32, #tpu.memory_space<vmem>>, vector<16xf32>,
      tpu.vector_store %arg8[%parallel_loop3A_20], %broadcast_in_dim3A_3 {strides = array<i32>} : memref<4096xf32, #tpu.memory_space<vmem>>, vector<16xf32>,
      %parallel_loop3A_22 = arith.index_cast %parallel_loop3A_19 : i32 to index
      %parallel_loop3A_23 = tpu.vector_load %arg9[%parallel_loop3A_22] {strides = array<i32>} : memref<4096xf32, #tpu.memory_space<vmem>>, vector<16xf32>,
      tpu.vector_store %arg9[%parallel_loop3A_22], %broadcast_in_dim3A_3 {strides = array<i32>} : memref<4096xf32, #tpu.memory_space<vmem>>, vector<16xf32>,
      %parallel_loop3A_24 = arith.index_cast %parallel_loop3A_19 : i32 to index
      %parallel_loop3A_25 = tpu.vector_load %arg10[%parallel_loop3A_24] {strides = array<i32>} : memref<4096xf32, #tpu.memory_space<vmem>>, vector<16xf32>,
      tpu.vector_store %arg10[%parallel_loop3A_24], %broadcast_in_dim3A_3 {strides = array<i32>} : memref<4096xf32, #tpu.memory_space<vmem>>, vector<16xf32>,
    } {sc.loop_unroll_factor = 8 : i64, sc.parallel_access}
    %scan3A = arith.constant 0 : i32
    %scan3A_6 = arith.constant 0 : i32
    %scan3A_7 = arith.constant 26 : i32
    %scan3A_8 = arith.addi %scan3A_6, %scan3A_7 : i32
    %scan3A_9 = arith.constant 1 : i32
    %scan3A_10 = scf.for %scan3A_17 = %scan3A_6 to %scan3A_8 step %scan3A_9 iter_args(%scan3A_18 = %scan3A) -> (i32)  : i32 {
      "tpu.region"() ({
        %run_scoped3A = tpu.sem_alloc : memref<!tpu.dma_semaphore, #tpu.memory_space<semaphore_mem>>
        %dma_start3A = arith.constant 0 : i32
        %dma_start3A_34 = tpu.memref_slice %arg3[%scan3A_17, %dma_start3A] : memref<26x4096xi32, #tpu.memory_space<hbm>> -> memref<1x4096xi32, #tpu.memory_space<hbm>>
        %dma_start3A_35 = tpu.memref_squeeze %dma_start3A_34 : memref<1x4096xi32, #tpu.memory_space<hbm>> -> memref<4096xi32, #tpu.memory_space<hbm>>
        %dma_start3A_36 = arith.constant 0 : i32
        %dma_start3A_37 = tpu.memref_slice %arg3[%scan3A_17, %dma_start3A_36] : memref<26x4096xi32, #tpu.memory_space<hbm>> -> memref<1x4096xi32, #tpu.memory_space<hbm>>
        %dma_start3A_38 = tpu.memref_squeeze %dma_start3A_37 : memref<1x4096xi32, #tpu.memory_space<hbm>> -> memref<4096xi32, #tpu.memory_space<hbm>>
        tpu.enqueue_dma source(%dma_start3A_38 : memref<4096xi32, #tpu.memory_space<hbm>>) target(%arg7 : memref<4096xi32, #tpu.memory_space<vmem>>) target_semaphore(%run_scoped3A : memref<!tpu.dma_semaphore, #tpu.memory_space<semaphore_mem>>)
        %dma_wait3A = arith.constant 0 : i32
        %dma_wait3A_39 = tpu.memref_slice %arg3[%scan3A_17, %dma_wait3A] : memref<26x4096xi32, #tpu.memory_space<hbm>> -> memref<1x4096xi32, #tpu.memory_space<hbm>>
        %dma_wait3A_40 = tpu.memref_squeeze %dma_wait3A_39 : memref<1x4096xi32, #tpu.memory_space<hbm>> -> memref<4096xi32, #tpu.memory_space<hbm>>
        %dma_wait3A_41 = arith.constant 0 : i32
        %dma_wait3A_42 = tpu.memref_slice %arg3[%scan3A_17, %dma_wait3A_41] : memref<26x4096xi32, #tpu.memory_space<hbm>> -> memref<1x4096xi32, #tpu.memory_space<hbm>>
        %dma_wait3A_43 = tpu.memref_squeeze %dma_wait3A_42 : memref<1x4096xi32, #tpu.memory_space<hbm>> -> memref<4096xi32, #tpu.memory_space<hbm>>
        tpu.wait_dma2 semaphore(%run_scoped3A : memref<!tpu.dma_semaphore, #tpu.memory_space<semaphore_mem>>) src(%dma_wait3A_43 : memref<4096xi32, #tpu.memory_space<hbm>>) dst(%arg7 : memref<4096xi32, #tpu.memory_space<vmem>>)
        tpu.yield
      }) : () -> ()
      %mul3A_19 = arith.constant 64 : i32
      %mul3A_20 = arith.muli %scan3A_17, %mul3A_19 : i32
      %add3A_21 = arith.addi %mul3A_20, %mul3A_2 : i32
      "tpu.region"() ({
        %run_scoped3A = tpu.sem_alloc : memref<!tpu.dma_semaphore, #tpu.memory_space<semaphore_mem>>
        %dma_start3A = arith.constant 0 : i32
        %dma_start3A_34 = tpu.memref_slice %arg2[%add3A_21, %dma_start3A] : memref<1664x100000xf32, #tpu.memory_space<hbm>> -> memref<1x100000xf32, #tpu.memory_space<hbm>>
        %dma_start3A_35 = tpu.memref_squeeze %dma_start3A_34 : memref<1x100000xf32, #tpu.memory_space<hbm>> -> memref<100000xf32, #tpu.memory_space<hbm>>
        %dma_start3A_36 = arith.constant 0 : i32
        %dma_start3A_37 = tpu.memref_slice %arg2[%add3A_21, %dma_start3A_36] : memref<1664x100000xf32, #tpu.memory_space<hbm>> -> memref<1x100000xf32, #tpu.memory_space<hbm>>
        %dma_start3A_38 = tpu.memref_squeeze %dma_start3A_37 : memref<1x100000xf32, #tpu.memory_space<hbm>> -> memref<100000xf32, #tpu.memory_space<hbm>>
        tpu.enqueue_dma source(%dma_start3A_38 : memref<100000xf32, #tpu.memory_space<hbm>>) target(%arg6 : memref<100000xf32, #tpu.memory_space<vmem>>) target_semaphore(%run_scoped3A : memref<!tpu.dma_semaphore, #tpu.memory_space<semaphore_mem>>)
        %dma_wait3A = arith.constant 0 : i32
        %dma_wait3A_39 = tpu.memref_slice %arg2[%add3A_21, %dma_wait3A] : memref<1664x100000xf32, #tpu.memory_space<hbm>> -> memref<1x100000xf32, #tpu.memory_space<hbm>>
        %dma_wait3A_40 = tpu.memref_squeeze %dma_wait3A_39 : memref<1x100000xf32, #tpu.memory_space<hbm>> -> memref<100000xf32, #tpu.memory_space<hbm>>
        %dma_wait3A_41 = arith.constant 0 : i32
        %dma_wait3A_42 = tpu.memref_slice %arg2[%add3A_21, %dma_wait3A_41] : memref<1664x100000xf32, #tpu.memory_space<hbm>> -> memref<1x100000xf32, #tpu.memory_space<hbm>>
        %dma_wait3A_43 = tpu.memref_squeeze %dma_wait3A_42 : memref<1x100000xf32, #tpu.memory_space<hbm>> -> memref<100000xf32, #tpu.memory_space<hbm>>
        tpu.wait_dma2 semaphore(%run_scoped3A : memref<!tpu.dma_semaphore, #tpu.memory_space<semaphore_mem>>) src(%dma_wait3A_43 : memref<100000xf32, #tpu.memory_space<hbm>>) dst(%arg6 : memref<100000xf32, #tpu.memory_space<vmem>>)
        tpu.yield
      }) : () -> ()
      %parallel_loop3A_22 = arith.constant 0 : i32
      %parallel_loop3A_23 = arith.constant 256 : i32
      %parallel_loop3A_24 = arith.constant 1 : i32
      scf.for %parallel_loop3A_34 = %parallel_loop3A_22 to %parallel_loop3A_23 step %parallel_loop3A_24  : i32 {
        %parallel_loop3A_35 = arith.constant 16 : i32
        %parallel_loop3A_36 = arith.muli %parallel_loop3A_34, %parallel_loop3A_35 : i32
        %parallel_loop3A_37 = arith.index_cast %parallel_loop3A_36 : i32 to index
        %parallel_loop3A_38 = tpu.vector_load %arg7[%parallel_loop3A_37] {strides = array<i32>} : memref<4096xi32, #tpu.memory_space<vmem>>, vector<16xi32>,
        %parallel_loop3A_39 = tpu.vector_load_idx %arg6[%parallel_loop3A_38] : memref<100000xf32, #tpu.memory_space<vmem>>[vector<16xi32>], vector<16xf32>,
        %parallel_loop3A_40 = arith.index_cast %parallel_loop3A_36 : i32 to index
        %parallel_loop3A_41 = tpu.vector_load %arg8[%parallel_loop3A_40] {strides = array<i32>} : memref<4096xf32, #tpu.memory_space<vmem>>, vector<16xf32>,
        %parallel_loop3A_42 = arith.addf %parallel_loop3A_41, %parallel_loop3A_39 : vector<16xf32>
        %parallel_loop3A_43 = arith.index_cast %parallel_loop3A_36 : i32 to index
        %parallel_loop3A_44 = tpu.vector_load %arg8[%parallel_loop3A_43] {strides = array<i32>} : memref<4096xf32, #tpu.memory_space<vmem>>, vector<16xf32>,
        tpu.vector_store %arg8[%parallel_loop3A_43], %parallel_loop3A_42 {strides = array<i32>} : memref<4096xf32, #tpu.memory_space<vmem>>, vector<16xf32>,
        %parallel_loop3A_45 = arith.index_cast %parallel_loop3A_36 : i32 to index
        %parallel_loop3A_46 = tpu.vector_load %arg10[%parallel_loop3A_45] {strides = array<i32>} : memref<4096xf32, #tpu.memory_space<vmem>>, vector<16xf32>,
        %parallel_loop3A_47 = arith.mulf %parallel_loop3A_39, %parallel_loop3A_39 : vector<16xf32>
        %parallel_loop3A_48 = arith.addf %parallel_loop3A_46, %parallel_loop3A_47 : vector<16xf32>
        %parallel_loop3A_49 = arith.index_cast %parallel_loop3A_36 : i32 to index
        %parallel_loop3A_50 = tpu.vector_load %arg10[%parallel_loop3A_49] {strides = array<i32>} : memref<4096xf32, #tpu.memory_space<vmem>>, vector<16xf32>,
        tpu.vector_store %arg10[%parallel_loop3A_49], %parallel_loop3A_48 {strides = array<i32>} : memref<4096xf32, #tpu.memory_space<vmem>>, vector<16xf32>,
      } {sc.loop_unroll_factor = 16 : i64, sc.parallel_access}
      %mul3A_25 = arith.constant 64 : i32
      %mul3A_26 = arith.muli %scan3A_17, %mul3A_25 : i32
      %add3A_27 = arith.addi %mul3A_26, %mul3A_2 : i32
      %add3A_28 = arith.constant 1 : i32
      %add3A_29 = arith.addi %add3A_27, %add3A_28 : i32
      "tpu.region"() ({
        %run_scoped3A = tpu.sem_alloc : memref<!tpu.dma_semaphore, #tpu.memory_space<semaphore_mem>>
        %dma_start3A = arith.constant 0 : i32
        %dma_start3A_34 = tpu.memref_slice %arg2[%add3A_29, %dma_start3A] : memref<1664x100000xf32, #tpu.memory_space<hbm>> -> memref<1x100000xf32, #tpu.memory_space<hbm>>
        %dma_start3A_35 = tpu.memref_squeeze %dma_start3A_34 : memref<1x100000xf32, #tpu.memory_space<hbm>> -> memref<100000xf32, #tpu.memory_space<hbm>>
        %dma_start3A_36 = arith.constant 0 : i32
        %dma_start3A_37 = tpu.memref_slice %arg2[%add3A_29, %dma_start3A_36] : memref<1664x100000xf32, #tpu.memory_space<hbm>> -> memref<1x100000xf32, #tpu.memory_space<hbm>>
        %dma_start3A_38 = tpu.memref_squeeze %dma_start3A_37 : memref<1x100000xf32, #tpu.memory_space<hbm>> -> memref<100000xf32, #tpu.memory_space<hbm>>
        tpu.enqueue_dma source(%dma_start3A_38 : memref<100000xf32, #tpu.memory_space<hbm>>) target(%arg6 : memref<100000xf32, #tpu.memory_space<vmem>>) target_semaphore(%run_scoped3A : memref<!tpu.dma_semaphore, #tpu.memory_space<semaphore_mem>>)
        %dma_wait3A = arith.constant 0 : i32
        %dma_wait3A_39 = tpu.memref_slice %arg2[%add3A_29, %dma_wait3A] : memref<1664x100000xf32, #tpu.memory_space<hbm>> -> memref<1x100000xf32, #tpu.memory_space<hbm>>
        %dma_wait3A_40 = tpu.memref_squeeze %dma_wait3A_39 : memref<1x100000xf32, #tpu.memory_space<hbm>> -> memref<100000xf32, #tpu.memory_space<hbm>>
        %dma_wait3A_41 = arith.constant 0 : i32
        %dma_wait3A_42 = tpu.memref_slice %arg2[%add3A_29, %dma_wait3A_41] : memref<1664x100000xf32, #tpu.memory_space<hbm>> -> memref<1x100000xf32, #tpu.memory_space<hbm>>
        %dma_wait3A_43 = tpu.memref_squeeze %dma_wait3A_42 : memref<1x100000xf32, #tpu.memory_space<hbm>> -> memref<100000xf32, #tpu.memory_space<hbm>>
        tpu.wait_dma2 semaphore(%run_scoped3A : memref<!tpu.dma_semaphore, #tpu.memory_space<semaphore_mem>>) src(%dma_wait3A_43 : memref<100000xf32, #tpu.memory_space<hbm>>) dst(%arg6 : memref<100000xf32, #tpu.memory_space<vmem>>)
        tpu.yield
      }) : () -> ()
      %parallel_loop3A_30 = arith.constant 0 : i32
      %parallel_loop3A_31 = arith.constant 256 : i32
      %parallel_loop3A_32 = arith.constant 1 : i32
      scf.for %parallel_loop3A_34 = %parallel_loop3A_30 to %parallel_loop3A_31 step %parallel_loop3A_32  : i32 {
        %parallel_loop3A_35 = arith.constant 16 : i32
        %parallel_loop3A_36 = arith.muli %parallel_loop3A_34, %parallel_loop3A_35 : i32
        %parallel_loop3A_37 = arith.index_cast %parallel_loop3A_36 : i32 to index
        %parallel_loop3A_38 = tpu.vector_load %arg7[%parallel_loop3A_37] {strides = array<i32>} : memref<4096xi32, #tpu.memory_space<vmem>>, vector<16xi32>,
        %parallel_loop3A_39 = tpu.vector_load_idx %arg6[%parallel_loop3A_38] : memref<100000xf32, #tpu.memory_space<vmem>>[vector<16xi32>], vector<16xf32>,
        %parallel_loop3A_40 = arith.index_cast %parallel_loop3A_36 : i32 to index
        %parallel_loop3A_41 = tpu.vector_load %arg9[%parallel_loop3A_40] {strides = array<i32>} : memref<4096xf32, #tpu.memory_space<vmem>>, vector<16xf32>,
        %parallel_loop3A_42 = arith.addf %parallel_loop3A_41, %parallel_loop3A_39 : vector<16xf32>
        %parallel_loop3A_43 = arith.index_cast %parallel_loop3A_36 : i32 to index
        %parallel_loop3A_44 = tpu.vector_load %arg9[%parallel_loop3A_43] {strides = array<i32>} : memref<4096xf32, #tpu.memory_space<vmem>>, vector<16xf32>,
        tpu.vector_store %arg9[%parallel_loop3A_43], %parallel_loop3A_42 {strides = array<i32>} : memref<4096xf32, #tpu.memory_space<vmem>>, vector<16xf32>,
        %parallel_loop3A_45 = arith.index_cast %parallel_loop3A_36 : i32 to index
        %parallel_loop3A_46 = tpu.vector_load %arg10[%parallel_loop3A_45] {strides = array<i32>} : memref<4096xf32, #tpu.memory_space<vmem>>, vector<16xf32>,
        %parallel_loop3A_47 = arith.mulf %parallel_loop3A_39, %parallel_loop3A_39 : vector<16xf32>
        %parallel_loop3A_48 = arith.addf %parallel_loop3A_46, %parallel_loop3A_47 : vector<16xf32>
        %parallel_loop3A_49 = arith.index_cast %parallel_loop3A_36 : i32 to index
        %parallel_loop3A_50 = tpu.vector_load %arg10[%parallel_loop3A_49] {strides = array<i32>} : memref<4096xf32, #tpu.memory_space<vmem>>, vector<16xf32>,
        tpu.vector_store %arg10[%parallel_loop3A_49], %parallel_loop3A_48 {strides = array<i32>} : memref<4096xf32, #tpu.memory_space<vmem>>, vector<16xf32>,
      } {sc.loop_unroll_factor = 16 : i64, sc.parallel_access}
      %scan3A_33 = arith.constant 0 : i32
      scf.yield %scan3A_33 : i32
    }
    %scan3A_11 = arith.constant 26 : i32
    %parallel_loop3A_12 = arith.constant 0 : i32
    %parallel_loop3A_13 = arith.constant 256 : i32
    %parallel_loop3A_14 = arith.constant 1 : i32
    scf.for %parallel_loop3A_17 = %parallel_loop3A_12 to %parallel_loop3A_13 step %parallel_loop3A_14  : i32 {
      %parallel_loop3A_18 = arith.constant 16 : i32
      %parallel_loop3A_19 = arith.muli %parallel_loop3A_17, %parallel_loop3A_18 : i32
      %parallel_loop3A_20 = arith.index_cast %parallel_loop3A_19 : i32 to index
      %parallel_loop3A_21 = tpu.vector_load %arg8[%parallel_loop3A_20] {strides = array<i32>} : memref<4096xf32, #tpu.memory_space<vmem>>, vector<16xf32>,
      %parallel_loop3A_22 = arith.index_cast %parallel_loop3A_19 : i32 to index
      %parallel_loop3A_23 = tpu.vector_load %arg9[%parallel_loop3A_22] {strides = array<i32>} : memref<4096xf32, #tpu.memory_space<vmem>>, vector<16xf32>,
      %parallel_loop3A_24 = arith.index_cast %parallel_loop3A_19 : i32 to index
      %parallel_loop3A_25 = tpu.vector_load %arg10[%parallel_loop3A_24] {strides = array<i32>} : memref<4096xf32, #tpu.memory_space<vmem>>, vector<16xf32>,
      %parallel_loop3A_26 = arith.mulf %parallel_loop3A_21, %parallel_loop3A_21 : vector<16xf32>
      %parallel_loop3A_27 = arith.mulf %parallel_loop3A_23, %parallel_loop3A_23 : vector<16xf32>
      %parallel_loop3A_28 = arith.addf %parallel_loop3A_26, %parallel_loop3A_27 : vector<16xf32>
      %parallel_loop3A_29 = arith.subf %parallel_loop3A_28, %parallel_loop3A_25 : vector<16xf32>
      %parallel_loop3A_30 = arith.constant 5.000000e-01 : f32
      %parallel_loop3A_31 = vector.broadcast %parallel_loop3A_30 : f32 to vector<16xf32>
      %parallel_loop3A_32 = arith.mulf %parallel_loop3A_31, %parallel_loop3A_29 : vector<16xf32>
      %parallel_loop3A_33 = arith.index_cast %parallel_loop3A_19 : i32 to index
      %parallel_loop3A_34 = tpu.vector_load %arg11[%parallel_loop3A_33] {strides = array<i32>} : memref<4096xf32, #tpu.memory_space<vmem>>, vector<16xf32>,
      tpu.vector_store %arg11[%parallel_loop3A_33], %parallel_loop3A_32 {strides = array<i32>} : memref<4096xf32, #tpu.memory_space<vmem>>, vector<16xf32>,
    } {sc.loop_unroll_factor = 8 : i64, sc.parallel_access}
    %lt3A = arith.constant 26 : i32
    %lt3A_15 = arith.cmpi slt, %add3A, %lt3A : i32
    %convert_element_type3A = arith.extui %lt3A_15 : i1 to i32
    %cond3A = arith.constant 0 : i32
    %cond3A_16 = arith.cmpi ne, %convert_element_type3A, %cond3A : i32
    scf.if %cond3A_16 {
      "tpu.region"() ({
        %run_scoped3A = tpu.sem_alloc : memref<!tpu.dma_semaphore, #tpu.memory_space<semaphore_mem>>
        %dma_start3A = arith.constant 0 : i32
        %dma_start3A_20 = tpu.memref_slice %arg3[%add3A, %dma_start3A] : memref<26x4096xi32, #tpu.memory_space<hbm>> -> memref<1x4096xi32, #tpu.memory_space<hbm>>
        %dma_start3A_21 = tpu.memref_squeeze %dma_start3A_20 : memref<1x4096xi32, #tpu.memory_space<hbm>> -> memref<4096xi32, #tpu.memory_space<hbm>>
        %dma_start3A_22 = arith.constant 0 : i32
        %dma_start3A_23 = tpu.memref_slice %arg3[%add3A, %dma_start3A_22] : memref<26x4096xi32, #tpu.memory_space<hbm>> -> memref<1x4096xi32, #tpu.memory_space<hbm>>
        %dma_start3A_24 = tpu.memref_squeeze %dma_start3A_23 : memref<1x4096xi32, #tpu.memory_space<hbm>> -> memref<4096xi32, #tpu.memory_space<hbm>>
        tpu.enqueue_dma source(%dma_start3A_24 : memref<4096xi32, #tpu.memory_space<hbm>>) target(%arg7 : memref<4096xi32, #tpu.memory_space<vmem>>) target_semaphore(%run_scoped3A : memref<!tpu.dma_semaphore, #tpu.memory_space<semaphore_mem>>)
        %dma_wait3A = arith.constant 0 : i32
        %dma_wait3A_25 = tpu.memref_slice %arg3[%add3A, %dma_wait3A] : memref<26x4096xi32, #tpu.memory_space<hbm>> -> memref<1x4096xi32, #tpu.memory_space<hbm>>
        %dma_wait3A_26 = tpu.memref_squeeze %dma_wait3A_25 : memref<1x4096xi32, #tpu.memory_space<hbm>> -> memref<4096xi32, #tpu.memory_space<hbm>>
        %dma_wait3A_27 = arith.constant 0 : i32
        %dma_wait3A_28 = tpu.memref_slice %arg3[%add3A, %dma_wait3A_27] : memref<26x4096xi32, #tpu.memory_space<hbm>> -> memref<1x4096xi32, #tpu.memory_space<hbm>>
        %dma_wait3A_29 = tpu.memref_squeeze %dma_wait3A_28 : memref<1x4096xi32, #tpu.memory_space<hbm>> -> memref<4096xi32, #tpu.memory_space<hbm>>
        tpu.wait_dma2 semaphore(%run_scoped3A : memref<!tpu.dma_semaphore, #tpu.memory_space<semaphore_mem>>) src(%dma_wait3A_29 : memref<4096xi32, #tpu.memory_space<hbm>>) dst(%arg7 : memref<4096xi32, #tpu.memory_space<vmem>>)
        tpu.yield
      }) : () -> ()
      "tpu.region"() ({
        %run_scoped3A = tpu.sem_alloc : memref<!tpu.dma_semaphore, #tpu.memory_space<semaphore_mem>>
        %dma_start3A = arith.constant 0 : i32
        %dma_start3A_20 = tpu.memref_slice %arg4[%add3A, %dma_start3A] : memref<26x100000xf32, #tpu.memory_space<hbm>> -> memref<1x100000xf32, #tpu.memory_space<hbm>>
        %dma_start3A_21 = tpu.memref_squeeze %dma_start3A_20 : memref<1x100000xf32, #tpu.memory_space<hbm>> -> memref<100000xf32, #tpu.memory_space<hbm>>
        %dma_start3A_22 = arith.constant 0 : i32
        %dma_start3A_23 = tpu.memref_slice %arg4[%add3A, %dma_start3A_22] : memref<26x100000xf32, #tpu.memory_space<hbm>> -> memref<1x100000xf32, #tpu.memory_space<hbm>>
        %dma_start3A_24 = tpu.memref_squeeze %dma_start3A_23 : memref<1x100000xf32, #tpu.memory_space<hbm>> -> memref<100000xf32, #tpu.memory_space<hbm>>
        tpu.enqueue_dma source(%dma_start3A_24 : memref<100000xf32, #tpu.memory_space<hbm>>) target(%arg6 : memref<100000xf32, #tpu.memory_space<vmem>>) target_semaphore(%run_scoped3A : memref<!tpu.dma_semaphore, #tpu.memory_space<semaphore_mem>>)
        %dma_wait3A = arith.constant 0 : i32
        %dma_wait3A_25 = tpu.memref_slice %arg4[%add3A, %dma_wait3A] : memref<26x100000xf32, #tpu.memory_space<hbm>> -> memref<1x100000xf32, #tpu.memory_space<hbm>>
        %dma_wait3A_26 = tpu.memref_squeeze %dma_wait3A_25 : memref<1x100000xf32, #tpu.memory_space<hbm>> -> memref<100000xf32, #tpu.memory_space<hbm>>
        %dma_wait3A_27 = arith.constant 0 : i32
        %dma_wait3A_28 = tpu.memref_slice %arg4[%add3A, %dma_wait3A_27] : memref<26x100000xf32, #tpu.memory_space<hbm>> -> memref<1x100000xf32, #tpu.memory_space<hbm>>
        %dma_wait3A_29 = tpu.memref_squeeze %dma_wait3A_28 : memref<1x100000xf32, #tpu.memory_space<hbm>> -> memref<100000xf32, #tpu.memory_space<hbm>>
        tpu.wait_dma2 semaphore(%run_scoped3A : memref<!tpu.dma_semaphore, #tpu.memory_space<semaphore_mem>>) src(%dma_wait3A_29 : memref<100000xf32, #tpu.memory_space<hbm>>) dst(%arg6 : memref<100000xf32, #tpu.memory_space<vmem>>)
        tpu.yield
      }) : () -> ()
      %parallel_loop3A_17 = arith.constant 0 : i32
      %parallel_loop3A_18 = arith.constant 256 : i32
      %parallel_loop3A_19 = arith.constant 1 : i32
      scf.for %parallel_loop3A_20 = %parallel_loop3A_17 to %parallel_loop3A_18 step %parallel_loop3A_19  : i32 {
        %parallel_loop3A_21 = arith.constant 16 : i32
        %parallel_loop3A_22 = arith.muli %parallel_loop3A_20, %parallel_loop3A_21 : i32
        %parallel_loop3A_23 = arith.index_cast %parallel_loop3A_22 : i32 to index
        %parallel_loop3A_24 = tpu.vector_load %arg11[%parallel_loop3A_23] {strides = array<i32>} : memref<4096xf32, #tpu.memory_space<vmem>>, vector<16xf32>,
        %parallel_loop3A_25 = arith.index_cast %parallel_loop3A_22 : i32 to index
        %parallel_loop3A_26 = tpu.vector_load %arg7[%parallel_loop3A_25] {strides = array<i32>} : memref<4096xi32, #tpu.memory_space<vmem>>, vector<16xi32>,
        %parallel_loop3A_27 = tpu.vector_load_idx %arg6[%parallel_loop3A_26] : memref<100000xf32, #tpu.memory_space<vmem>>[vector<16xi32>], vector<16xf32>,
        %parallel_loop3A_28 = arith.addf %parallel_loop3A_24, %parallel_loop3A_27 : vector<16xf32>
        %parallel_loop3A_29 = arith.index_cast %parallel_loop3A_22 : i32 to index
        %parallel_loop3A_30 = tpu.vector_load %arg11[%parallel_loop3A_29] {strides = array<i32>} : memref<4096xf32, #tpu.memory_space<vmem>>, vector<16xf32>,
        tpu.vector_store %arg11[%parallel_loop3A_29], %parallel_loop3A_28 {strides = array<i32>} : memref<4096xf32, #tpu.memory_space<vmem>>, vector<16xf32>,
      } {sc.loop_unroll_factor = 8 : i64, sc.parallel_access}
    } else {
    }
    "tpu.region"() ({
      %run_scoped3A = tpu.sem_alloc : memref<!tpu.dma_semaphore, #tpu.memory_space<semaphore_mem>>
      %dma_start3A = arith.constant 0 : i32
      %dma_start3A_17 = tpu.memref_slice %arg5[%add3A, %dma_start3A] : memref<32x4096xf32, #tpu.memory_space<hbm>> -> memref<1x4096xf32, #tpu.memory_space<hbm>>
      %dma_start3A_18 = tpu.memref_squeeze %dma_start3A_17 : memref<1x4096xf32, #tpu.memory_space<hbm>> -> memref<4096xf32, #tpu.memory_space<hbm>>
      %dma_start3A_19 = arith.constant 0 : i32
      %dma_start3A_20 = tpu.memref_slice %arg5[%add3A, %dma_start3A_19] : memref<32x4096xf32, #tpu.memory_space<hbm>> -> memref<1x4096xf32, #tpu.memory_space<hbm>>
      %dma_start3A_21 = tpu.memref_squeeze %dma_start3A_20 : memref<1x4096xf32, #tpu.memory_space<hbm>> -> memref<4096xf32, #tpu.memory_space<hbm>>
      tpu.enqueue_dma source(%arg11 : memref<4096xf32, #tpu.memory_space<vmem>>) target(%dma_start3A_21 : memref<4096xf32, #tpu.memory_space<hbm>>) target_semaphore(%run_scoped3A : memref<!tpu.dma_semaphore, #tpu.memory_space<semaphore_mem>>)
      %dma_wait3A = arith.constant 0 : i32
      %dma_wait3A_22 = tpu.memref_slice %arg5[%add3A, %dma_wait3A] : memref<32x4096xf32, #tpu.memory_space<hbm>> -> memref<1x4096xf32, #tpu.memory_space<hbm>>
      %dma_wait3A_23 = tpu.memref_squeeze %dma_wait3A_22 : memref<1x4096xf32, #tpu.memory_space<hbm>> -> memref<4096xf32, #tpu.memory_space<hbm>>
      %dma_wait3A_24 = arith.constant 0 : i32
      %dma_wait3A_25 = tpu.memref_slice %arg5[%add3A, %dma_wait3A_24] : memref<32x4096xf32, #tpu.memory_space<hbm>> -> memref<1x4096xf32, #tpu.memory_space<hbm>>
      %dma_wait3A_26 = tpu.memref_squeeze %dma_wait3A_25 : memref<1x4096xf32, #tpu.memory_space<hbm>> -> memref<4096xf32, #tpu.memory_space<hbm>>
      tpu.wait_dma2 semaphore(%run_scoped3A : memref<!tpu.dma_semaphore, #tpu.memory_space<semaphore_mem>>) src(%arg11 : memref<4096xf32, #tpu.memory_space<vmem>>) dst(%dma_wait3A_26 : memref<4096xf32, #tpu.memory_space<hbm>>)
      tpu.yield
    }) : () -> ()
    return
  }
}

module attributes {stable_mosaic.version = 14 : i64} {
  func.func @_combine_body(%arg0: memref<32x4096xf32, #tpu.memory_space<vmem>>, %arg1: memref<1x1xf32, #tpu.memory_space<vmem>>, %arg2: memref<1x4096xf32, #tpu.memory_space<vmem>>) attributes {dimension_semantics = [], scalar_prefetch = 0 : i64, scratch_operands = 0 : i64, tpu.core_type = #tpu.core_type<tc>} {
    %get3A = arith.constant 0 : index
    %get3A_0 = arith.constant 0 : index
    %get3A_1 = vector.load %arg0[%get3A, %get3A_0] : memref<32x4096xf32, #tpu.memory_space<vmem>>, vector<32x4096xf32>
    %reduce_sum3A = arith.constant dense<0.000000e+00> : vector<4096xf32>
    %reduce_sum3A_2 = vector.multi_reduction <add>, %get3A_1, %reduce_sum3A [0] : vector<32x4096xf32> to vector<4096xf32>
    %broadcast_in_dim3A = vector.shape_cast %reduce_sum3A_2 : vector<4096xf32> to vector<1x4096xf32>
    %get3A_3 = arith.constant 0 : index
    %get3A_4 = arith.constant 0 : index
    %get3A_5 = vector.load %arg1[%get3A_3, %get3A_4] : memref<1x1xf32, #tpu.memory_space<vmem>>, vector<1x1xf32>
    %get3A_6 = vector.extract %get3A_5[0, 0] : f32 from vector<1x1xf32>
    %add3A = vector.broadcast %get3A_6 : f32 to vector<1x4096xf32>
    %add3A_7 = arith.addf %broadcast_in_dim3A, %add3A : vector<1x4096xf32>
    %neg3A = arith.constant 0.000000e+00 : f32
    %neg3A_8 = vector.broadcast %neg3A : f32 to vector<1x4096xf32>
    %neg3A_9 = arith.subf %neg3A_8, %add3A_7 : vector<1x4096xf32>
    %exp3A = math.exp %neg3A_9 : vector<1x4096xf32>
    %add3A_10 = arith.constant 1.000000e+00 : f32
    %add3A_11 = vector.broadcast %add3A_10 : f32 to vector<1x4096xf32>
    %add3A_12 = arith.addf %add3A_11, %exp3A : vector<1x4096xf32>
    %div3A = arith.constant 1.000000e+00 : f32
    %div3A_13 = vector.broadcast %div3A : f32 to vector<1x4096xf32>
    %div3A_14 = arith.divf %div3A_13, %add3A_12 : vector<1x4096xf32>
    %swap3A = arith.constant 0 : index
    %swap3A_15 = arith.constant 0 : index
    %swap3A_16 = vector.load %arg2[%swap3A, %swap3A_15] : memref<1x4096xf32, #tpu.memory_space<vmem>>, vector<1x4096xf32>
    tpu.vector_store %arg2[%swap3A, %swap3A_15], %div3A_14 {strides = array<i32>} : memref<1x4096xf32, #tpu.memory_space<vmem>>, vector<1x4096xf32>,
    return
  }
}

</mosaic_0001>

<sc_bundles>
// kernel: kernel.4.cloned.1.call-start
scs
__scs_entry_jumppad:
0x0: {  	(pc) =	sbr.rel $0x88, $3  }
0x1: {  	(tag) =	ssettag $0x0;
	lr =	simm.s32 $0x1  }
0x2: {  	[smem:$0x3F9D] =	sst lr;
	_ =	strace $0xD0000000  }
0x3: {  	_ = 	snop  }
0x4: {  	_ = 	snop  }
0x5: {  	_ = 	snop  }
0x6: {  	_ = 	snop  }
0x7: {  	_ = 	snop  }
__scs_overlays_trampoline_lowered:
0x8: {  	[smem:$0x3FAC] =	sst s0  }
0x9: {  	[smem:$0x3FAD] =	sst s1  }
0xa: {  	[smem:$0x3FAE] =	sst s2  }
0xb: {  	[smem:$0x3FAF] =	sst s3  }
0xc: {  	[smem:$0x3FB0] =	sst s4  }
0xd: {  	[smem:$0x3FB1] =	sst s5  }
0xe: {  	[smem:$0x3FB2] =	sst s6  }
0xf: {  	[smem:$0x3FB3] =	sst s7  }
0x10: {  	[smem:$0x3FB4] =	sst s8  }
0x11: {  	[smem:$0x3FB5] =	sst s9;
	s0 =	simm.s32 @!p0 $0x0  }
0x12: {  	s1 =	sld [smem:$0x3F9B];
	s0 =	simm.s32 @p0 $0x1  }
0x13: {  	[smem:$0x3FB6] =	sst s0;
	s0 =	simm.s32 @!p1 $0x0  }
0x14: {  	s2 =	sld [smem:$0x3F9A];
	s0 =	simm.s32 @p1 $0x1  }
0x15: {  	[smem:$0x3FB7] =	sst s0;
	s0 =	simm.s32 @!p2 $0x0  }
0x16: {  	s3 =	sld [smem:$0x3FDB];
	s0 =	simm.s32 @p2 $0x1  }
0x17: {  	s4 =	simm.s32 $0x1BF5;
	[smem:$0x3FB9] =	sst s0  }
0x18: {  	s0 =	sld [smem:$0x3F9C];
	_ =	swait.ge [sflag:s4], $0x0  }
0x19: {  	s7 =	sld [smem:$0x3F9D]  }
0x1a: {  	s8 =	sadd.s32 $0xFFFFE003, lr  }
0x1b: {  	s9 =	sadd.s32 $0xFFFFFEF7, lr;
	s5 =	simm.s32 $0xFFFFFFFF;
	p2 =	slt.u32 s8, $0xFFFFF086  }
0x1c: {  	p1 =	slt.u32 s9, $0xF7A;
	s5 =	simm.s32 @!p2 $0x0  }
0x1d: {  	s5 =	simm.s32 @p1 $0x1;
	p0 =	seq.s32 s7, s2  }
0x1e: {  	s7 =	smul.u32 @!p0 $0xF7A, s2;
	p2 =	seq.s32 @!p0 s5, $0x0  }
0x1f: {  	s9 =	smul.u32 $0xF7A, s1;
	s8 =	simm.s32 @!p0 $0x1BF5;
	p2 =	por !p2, p0  }
0x20: {  	[sflag:s8] =	ssyncset.s32 @!p0 $0xFFFFF086;
	s6 =	sadd.s32 @!p0 s3, s7;
	s7 =	simm.s32 @!p0 $0x108  }
0x21: {  	s3 =	sadd.s32 s3, s9;
	s6 =	sadd.s32 @!p0 $0x88, s6;
	s7 =	simm.s32 @p2 $0x1082  }
0x22: {  	[simem:s7], [sflag:s8] =	dma.local @!p0 [hbm:s6], $0xF7A  }
0x23: {  	s9 =	sor.u32 $0xD0000000, s2;
	s6 =	simm.s32 $0x108;
	_ =	swait.ge @!p0 [sflag:s8], $0x0  }
0x24: {  	s3 =	sadd.s32 $0x88, s3;
	s6 =	simm.s32 @!p1 $0x1082;
	[sflag:s4] =	ssyncset.s32 $0xFFFFF086  }
0x25: {  	[simem:s6], [sflag:s4] =	dma.local [hbm:s3], $0xF7A  }
0x26: {  	[smem:$0x3F9D] =	sst s1;
	(tag) =	ssettag s2;
	_ =	strace s9  }
0x27: {  	s1 =	sld [smem:$0x3FAD]  }
0x28: {  	s2 =	sld [smem:$0x3FAE]  }
0x29: {  	s4 =	sld [smem:$0x3FB0]  }
0x2a: {  	p0 =	seq.s32 s5, $0x0;
	s5 =	sld [smem:$0x3FB1]  }
0x2b: {  	s6 =	sld [smem:$0x3FB2]  }
0x2c: {  	s7 =	sld [smem:$0x3FB3]  }
0x2d: {  	s3 =	simm.s32 $0x108;
	s8 =	sld [smem:$0x3FB4]  }
0x2e: {  	s3 =	simm.s32 @!p0 $0x1082;
	s9 =	sld [smem:$0x3FB5]  }
0x2f: {  	lr =	sadd.s32 s0, s3;
	s0 =	sld [smem:$0x3FAC]  }
0x30: {  	s3 =	sld [smem:$0x3FAF]  }
0x31: {  	[smem:$0x3FB8] =	sst s10  }
0x32: {  	s10 =	sld [smem:$0x3FB6];
	_ =	sdelay $0x3  }
0x33: {  	p0 =	seq.s32 s10, $0x1;
	s10 =	sld [smem:$0x3FB8];
	_ =	sdelay $0x3  }
0x34: {  	[smem:$0x3FB8] =	sst s10  }
0x35: {  	s10 =	sld [smem:$0x3FB7];
	_ =	sdelay $0x3  }
0x36: {  	p1 =	seq.s32 s10, $0x1;
	s10 =	sld [smem:$0x3FB8];
	_ =	sdelay $0x3  }
0x37: {  	[smem:$0x3FB8] =	sst s10  }
0x38: {  	s10 =	sld [smem:$0x3FB9]  }
0x39: {  	_ = 	snop;
	(pc) =	sbr.ind lr, $3  }
0x3a: {  	_ = 	snop  }
0x3b: {  	_ = 	snop  }
0x3c: {  	p2 =	seq.s32 s10, $0x1;
	s10 =	sld [smem:$0x3FB8]  }
0x3d: {  	_ =	shalt  }
0x3e: {  	_ =	shalt  }
0x3f: {  	_ =	shalt  }
0x40: {  	_ =	shalt  }
0x41: {  	_ =	shalt  }
0x42: {  	_ =	shalt  }
0x43: {  	_ =	shalt  }
0x44: {  	_ =	shalt  }
0x45: {  	_ =	shalt  }
0x46: {  	_ =	shalt  }
0x47: {  	_ =	shalt  }
0x48: {  	_ =	shalt  }
0x49: {  	_ =	shalt  }
0x4a: {  	_ =	shalt  }
0x4b: {  	_ =	shalt  }
0x4c: {  	_ =	shalt  }
0x4d: {  	_ =	shalt  }
0x4e: {  	_ =	shalt  }
0x4f: {  	_ =	shalt  }
0x50: {  	_ =	shalt  }
0x51: {  	_ =	shalt  }
0x52: {  	_ =	shalt  }
0x53: {  	_ =	shalt  }
0x54: {  	_ =	shalt  }
0x55: {  	_ =	shalt  }
0x56: {  	_ =	shalt  }
0x57: {  	_ =	shalt  }
0x58: {  	_ =	shalt  }
0x59: {  	_ =	shalt  }
0x5a: {  	_ =	shalt  }
0x5b: {  	_ =	shalt  }
0x5c: {  	_ =	shalt  }
0x5d: {  	_ =	shalt  }
0x5e: {  	_ =	shalt  }
0x5f: {  	_ =	shalt  }
0x60: {  	_ =	shalt  }
0x61: {  	_ =	shalt  }
0x62: {  	_ =	shalt  }
0x63: {  	_ =	shalt  }
0x64: {  	_ =	shalt  }
0x65: {  	_ =	shalt  }
0x66: {  	_ =	shalt  }
0x67: {  	_ =	shalt  }
0x68: {  	_ =	shalt  }
0x69: {  	_ =	shalt  }
0x6a: {  	_ =	shalt  }
0x6b: {  	_ =	shalt  }
0x6c: {  	_ =	shalt  }
0x6d: {  	_ =	shalt  }
0x6e: {  	_ =	shalt  }
0x6f: {  	_ =	shalt  }
0x70: {  	_ =	shalt  }
0x71: {  	_ =	shalt  }
0x72: {  	_ =	shalt  }
0x73: {  	_ =	shalt  }
0x74: {  	_ =	shalt  }
0x75: {  	_ =	shalt  }
0x76: {  	_ =	shalt  }
0x77: {  	_ =	shalt  }
0x78: {  	_ =	shalt  }
0x79: {  	_ =	shalt  }
0x7a: {  	_ =	shalt  }
0x7b: {  	_ =	shalt  }
0x7c: {  	_ =	shalt  }
0x7d: {  	_ =	shalt  }
0x7e: {  	_ =	shalt  }
0x7f: {  	_ =	shalt  }
0x80: {  	_ =	shalt  }
0x81: {  	_ =	shalt  }
0x82: {  	_ =	shalt  }
0x83: {  	_ =	shalt  }
0x84: {  	_ =	shalt  }
0x85: {  	_ =	shalt  }
0x86: {  	_ =	shalt  }
0x87: {  	_ =	shalt  }
.Lfunc_end0:
.L_simem_size_0:
called_computation_lowered:
.L_overlay_start_0:
0x88: {  	s2 =	sld [smem:$0x3FD9]  }
0x89: {  	s3 =	sld [smem:$0x3FFE];
	_ =	sdelay $0x1  }
0x8a: {  	s1 =	srdreg.scid  }
0x8b: {  	s0 =	sand.u32 $0x1, s1  }
0x8c: {  	s17 =	sshll.u32 s0, $0xA;
	s2 =	sadd.s32 s3, s2  }
0x8d: {  	s2 =	sadd.s32 s2, s17  }
0x8e: {  	[smem:$0x3FC4] =	sst s2  }
0x8f: {  	_ = 	snop  }
0x90: {  	s2 =	sld [smem:$0x3FC9]  }
0x91: {  	s18 =	sld [smem:$0x3FC8];
	(tm) =	ssettm $0x1  }
0x92: {  	s4 =	sld [smem:$0x3FFB];
	_ =	sdelay $0x3  }
0x93: {  	_ =	strace s4  }
0x94: {  	s4 =	sld [smem:$0x3FFC];
	_ =	sdelay $0x3  }
0x95: {  	_ =	strace s4  }
0x96: {  	s4 =	sld [smem:$0x3FFD];
	_ =	sdelay $0x3  }
0x97: {  	_ =	strace s4  }
0x98: {  	_ =	strace $0x8FFFFFFF  }
0x99: {  	s19 =	sld [smem:$0x3FDB];
	_ =	sdelay $0x1  }
0x9a: {  	s5 =	simm.s32 $_scs_section_size  }
0x9b: {  	s6 =	simm.s32 $_size__tile_overlayer_lowered;
	s7 =	simm.s32 $_tile_overlayer_lowered  }
0x9c: {  	s22 =	simm.s32 $0x1BFF;
	s21 =	sshll.u32 s7, $0x1;
	s4 =	sadd.s32 s5, s19  }
0x9d: {  	s8 =	simm.s32 $0x0;
	s20 =	sshll.u32 s6, $0x1;
	s6 =	sadd.s32 s21, s4  }
0x9e: {  	[timem:s8], [sflag:s22] =	dma.local [hbm:s6], s20  }
0x9f: {  	_ =	swait.ge [sflag:s22], s20  }
0xa0: {  	s5 =	ssub.s32 $0x0, s20;
	[sflag:s22] =	ssyncset.done $0x0  }
0xa1: {  	[sflag:s22] =	ssyncadd.s32 s5;
	_ =	sdelay $0x1  }
0xa2: {  	s23 =	simm.s32 $0x1B8B  }
0xa3: {  	_ =	swait.ge [sflag:s23], $0x1  }
0xa4: {  	[sflag:s23] =	ssyncset.done $0x0  }
0xa5: {  	s25 =	simm.s32 $0x1B8E;
	s24 =	sld [smem:$0x3FFE];
	[sflag:s23] =	ssyncadd.s32 $0xFFFFFFFF  }
0xa6: {  	s26 =	simm.s32 $execute0_lowered;
	[smem:$0x3FD2] =	sst s25  }
0xa7: {  	s6 =	sshll.u32 s26, $0x1;
	_ =	strace $0x80000046;
	[dreg:$0x1] =	wrdreg $0xFFFFFFFF  }
0xa8: {  	s28 =	simm.s32 $_size_execute0_lowered;
	s4 =	sadd.s32 s4, s6;
	[dreg:$0x0] =	wrdreg $0x0  }
0xa9: {  	s6 =	sshll.u32 s28, $0x1;
	[dreg:$0x2] =	wrdreg s4  }
0xaa: {  	[dreg:$0x3] =	wrdreg s6  }
0xab: {  	[dreg:$0x4] =	wrdreg $0xC0  }
0xac: {  	_ =	task [dreg:s8], $0x5FFFF  }
0xad: {  	[dreg:$0x1] =	wrdreg $0xFFFFFFFF  }
0xae: {  	[dreg:$0x0] =	wrdreg $0x60  }
0xaf: {  	[dreg:$0x2] =	wrdreg s18  }
0xb0: {  	[dreg:$0x3] =	wrdreg s2  }
0xb1: {  	[dreg:$0x4] =	wrdreg s24  }
0xb2: {  	[dreg:$0x5] =	wrdreg $0x9  }
0xb3: {  	_ =	task.clear_ibuf [dreg:s8], $0x6FFFF;
	_ =	strace $0x90000046  }
0xb4: {  	s29 =	simm.s32 $0x9;
	_ =	strace $0x80000048  }
0xb5: {  	_ =	swait.ge [sflag:s29], $0x1  }
0xb6: {  	[sflag:s29] =	ssyncadd.s32 $0xFFFFFFFF  }
0xb7: {  	_ =	strace $0x90000048  }
0xb8: {  	_ =	sfence  }
0xb9: {  	s30 =	sld [smem:$0x0];
	_ =	sdelay $0x2  }
0xba: {  	s31 =	sshll.u32 s1, $0xD;
	s1 =	sshrl.u32 s1, $0x2  }
0xbb: {  	s3 =	sand.u32 $0x4000, s31;
	s1 =	sadd.s32 s1, s30  }
0xbc: {  	s0 =	sor.u32 s3, s0;
	s1 =	sshll.u32 s1, $0x11  }
0xbd: {  	s0 =	sor.u32 s1, s0  }
0xbe: {  	s0 =	sadd.s32 $0x8F2B, s0  }
0xbf: {  	[sflag:s0] =	ssyncadd.remote.s32 $0x1  }
0xc0: {  	_ =	sfence.sel $0xFFFF  }
0xc1: {  	[dreg:$0x0] =	wrdreg $0xFFFFFFFF;
	(pc) =	sbr.abs _section_cstart, $3  }
0xc2: {  	[dreg:$0x1] =	wrdreg $0xFFFFFFFF  }
0xc3: {  	_ =	task.clear_ibuf [dreg:s8], $0x2FFFF;
	_ =	strace $0x9FFFFFFF  }
0xc4: {  	(tm) =	ssettm $0x7FFFFFFF  }
0xc5: {  	_ =	shalt  }
tec
execute0_lowered:
.L_overlay_start_1:
0x0: {  	(tag) =	ssettag $0x1  }
0x1: {  	s2 =	rddreg [dreg:$0x0]  }
0x2: {  	s3 =	rddreg [dreg:$0x1]  }
0x3: {  	s5 =	rddreg [dreg:$0x2]  }
0x4: {  	s4 =	srdreg.scid;
	s1 =	stileid.u32  }
0x5: {  	s0 =	rddreg [dreg:$0x3];
	s14 =	simm.s32 $0x18700;
	s15 =	simm.s32 $0x1  }
0x6: {  	s16 =	simm.s32 $0x1C700;
	s17 =	simm.s32 $0x0;
	s6 =	sand.u32 $0x1, s4  }
0x7: {  	s7 =	sshll.u32 s1, $0x1;
	s4 =	simm.s32 $0x0;
	s8 =	sshrl.u32 s1, $0x2  }
0x8: {  	s11 =	sshll.u32 s1, $0xA;
	p0 =	sgt.u32 s1, $0xC;
	s7 =	sor.u32 s6, s7  }
0x9: {  	[smem:$0x7FF] =	sst s4;
	s10 =	smul.u32 $0xC3800, s8;
	s6 =	ssub.s32 $0x2, s6  }
0xa: {  	s11 =	sand.u32 $0x3000, s11;
	s8 =	sshll.u32 s8, $0xF;
	s9 =	sshll.u32 s7, $0x7  }
0xb: {  	_ =	strace $0x80000047;
	s12 =	sshrl.u32 s6, $0x1;
	s11 =	sadd.s32 s11, s5  }
0xc: {  	s29 =	sshll.u32 s7, $0x8;
	s30 =	sshll.u32 s7, $0x4;
	s9 =	sand.u32 $0x380, s9  }
0xd: {  	s12 =	ssub.s32 s6, s12;
	s6 =	sand.u32 $0x300, s29;
	s13 =	sand.u32 $0x70, s30  }
.Ltmp0:
0xe: {  	s10 =	sor.u32 s10, s9;
	s8 =	sor.u32 s8, s9;
	(pc) =	sbr.rel .LBB2_1-.Ltmp0, $4  }
0xf: {  	s7 =	sor.u32 $0x80, s6;
	s31 =	sadd.s32 s13, s11;
	s11 =	smax.u32 s12, $0x1  }
0x10: {  	s12 =	simm.s32 $0x80;
	s13 =	simm.s32 $0x400;
	s10 =	sshrl.u32 s10, $0x3  }
0x11: {  	s8 =	sshrl.u32 s8, $0x3;
	s10 =	sadd.s32 s10, s5;
	s5 =	sshll.u32 s1, $0x2  }
0x12: {  	v0 =	vimm.f32 $0.0e+00;
	s8 =	sadd.s32 s3, s8;
	s9 =	sadd.s32 $0x600, s10;
	s10 =	sadd.s32 $0x62200, s31  }
.LBB2_15:
0x13: {  	s17 =	sadd.s32 $0x1, s17  }
0x14: {  	p1 =	sne.s32 s17, s11  }
.Ltmp1:
0x15: {  	_ = 	snop;
	(pc) =	sbr.rel @!p1 .LBB2_16-.Ltmp1, $4  }
0x16: {  	[hbm4b:s10+s12] =	stream.strided.scatter [tilespmem:s16], [sflag:$0x1], $0x1000, s13, s12, $0x38;
	[tilespmem:$0x1D700] =	vst v63  }
0x17: {  	_ =	swait.ge [sflag:s15], $0x1000  }
0x18: {  	[sflag:s15] =	ssyncset.done $0x0  }
0x19: {  	[sflag:s15] =	ssyncadd.s32 $0xFFFFF000  }
.LBB2_1:
0x1a: {  	s19 =	simm.s32 $0x19740  }
0x1b: {  	[tilespmem:s19+$0xFFFFFFD0] =	vst v0  }
0x1c: {  	[tilespmem:s19+$0x0] =	vst v0  }
0x1d: {  	[tilespmem:s19+$0xFFFFFFC0] =	vst v0  }
0x1e: {  	[tilespmem:s19+$0x30] =	vst v0  }
0x1f: {  	[tilespmem:s19+$0xFFFFFFF0] =	vst v0  }
0x20: {  	[tilespmem:s19+$0xFFFFFFE0] =	vst v0  }
0x21: {  	[tilespmem:s19+$0x10] =	vst v0  }
0x22: {  	s21 =	simm.s32 $0x1A740;
	[tilespmem:s19+$0x20] =	vst v0  }
0x23: {  	[tilespmem:s21+$0xFFFFFFC0] =	vst v0  }
0x24: {  	[tilespmem:s21+$0x30] =	vst v0  }
0x25: {  	[tilespmem:s21+$0x0] =	vst v0  }
0x26: {  	[tilespmem:s21+$0x20] =	vst v0  }
0x27: {  	[tilespmem:s21+$0x10] =	vst v0  }
0x28: {  	[tilespmem:s21+$0xFFFFFFD0] =	vst v0  }
0x29: {  	[tilespmem:s21+$0xFFFFFFE0] =	vst v0  }
0x2a: {  	s20 =	simm.s32 $0x1B740;
	[tilespmem:s21+$0xFFFFFFF0] =	vst v0  }
0x2b: {  	[tilespmem:s20+$0xFFFFFFC0] =	vst v0  }
0x2c: {  	[tilespmem:s20+$0x30] =	vst v0  }
0x2d: {  	[tilespmem:s20+$0x20] =	vst v0  }
0x2e: {  	[tilespmem:s20+$0x10] =	vst v0  }
0x2f: {  	s22 =	simm.s32 $0x0;
	s23 =	simm.s32 $0x1B7C0;
	[tilespmem:s20+$0xFFFFFFD0] =	vst v0  }
.LBB2_2:
0x30: {  	s22 =	sadd.s32 $0x8, s22;
	[tilespmem:s20+$0xFFFFFFE0] =	vst v0;
	s19 =	sadd.s32 $0x80, s19;
	s21 =	sadd.s32 $0x80, s21  }
0x31: {  	p1 =	slt.u32 s22, $0xF8;
	[tilespmem:s20+$0x0] =	vst v0  }
0x32: {  	[tilespmem:s20+$0xFFFFFFF0] =	vst v0;
	s20 =	smov.u32 s23  }
0x33: {  	[tilespmem:s19+$0xFFFFFFD0] =	vst v0  }
0x34: {  	[tilespmem:s19+$0x0] =	vst v0  }
0x35: {  	[tilespmem:s19+$0xFFFFFFC0] =	vst v0  }
0x36: {  	[tilespmem:s21+$0xFFFFFFC0] =	vst v0  }
0x37: {  	[tilespmem:s23+$0xFFFFFFC0] =	vst v0  }
0x38: {  	[tilespmem:s19+$0x30] =	vst v0  }
0x39: {  	[tilespmem:s21+$0x30] =	vst v0  }
0x3a: {  	[tilespmem:s23+$0x30] =	vst v0  }
0x3b: {  	[tilespmem:s21+$0x0] =	vst v0  }
0x3c: {  	[tilespmem:s19+$0xFFFFFFF0] =	vst v0  }
0x3d: {  	[tilespmem:s19+$0xFFFFFFE0] =	vst v0  }
0x3e: {  	[tilespmem:s19+$0x10] =	vst v0  }
0x3f: {  	[tilespmem:s19+$0x20] =	vst v0  }
0x40: {  	[tilespmem:s21+$0x20] =	vst v0  }
0x41: {  	[tilespmem:s23+$0x20] =	vst v0  }
0x42: {  	[tilespmem:s21+$0x10] =	vst v0  }
.Ltmp2:
0x43: {  	[tilespmem:s23+$0x10] =	vst v0;
	(pc) =	sbr.rel @p1 .LBB2_2-.Ltmp2, $4  }
0x44: {  	[tilespmem:s21+$0xFFFFFFD0] =	vst v0  }
0x45: {  	[tilespmem:s21+$0xFFFFFFE0] =	vst v0  }
0x46: {  	[tilespmem:s23+$0xFFFFFFD0] =	vst v0  }
0x47: {  	s18 =	simm.s32 $0x0;
	s23 =	sadd.s32 $0x80, s23;
	[tilespmem:s21+$0xFFFFFFF0] =	vst v0  }
0x48: {  	[tilespmem:s20+$0xFFFFFFE0] =	vst v0  }
0x49: {  	[tilespmem:s20+$0x0] =	vst v0  }
0x4a: {  	[tilespmem:s20+$0xFFFFFFF0] =	vst v0  }
.LBB2_4:
0x4b: {  	s19 =	sshll.u32 s18, $0x4;
	s20 =	sshll.u32 s18, $0x6  }
0x4c: {  	s21 =	sshll.u32 s18, $0x9;
	s19 =	sand.u32 $0x70, s19;
	s20 =	sor.u32 s5, s20  }
0x4d: {  	s21 =	sand.u32 $0x3000, s21;
	s19 =	sadd.s32 s3, s19;
	s20 =	sshrl.u32 s20, $0x3  }
0x4e: {  	s21 =	sadd.s32 s21, s19;
	s19 =	smul.u32 $0xC3800, s20  }
0x4f: {  	[tilespmem:s14], [sflag:$0x1] =	stream.strided.gather [hbm4b:s21+s12], $0x1000, s13, s12, $0x38;
	[tilespmem:$0x1D700] =	vst v63  }
0x50: {  	_ =	swait.ge [sflag:s15], $0x1000;
	s20 =	sor.u32 s6, s19  }
0x51: {  	[sflag:s15] =	ssyncset.done $0x0;
	s20 =	sshrl.u32 s20, $0x3  }
0x52: {  	[sflag:s15] =	ssyncadd.s32 $0xFFFFF000;
	s20 =	sadd.s32 s2, s20  }
0x53: {  	[tilespmem:s4], [sflag:$0x1] =	stream.strided.gather [hbm4b:s20+s12], $0x18700, s13, s12, $0x38;
	[tilespmem:$0x1D700] =	vst v63  }
0x54: {  	_ =	swait.ge [sflag:s15], $0x18700  }
0x55: {  	[sflag:s15] =	ssyncset.done $0x0  }
0x56: {  	s22 =	simm.s32 $0x18780;
	[sflag:s15] =	ssyncadd.s32 $0xFFFE7900  }
0x57: {  	v1 =	vld [tilespmem:s22+$0x70]  }
0x58: {  	v2 =	vld [tilespmem:s22+$0xFFFFFF90]  }
0x59: {  	v3 =	vld [tilespmem:s22+$0xFFFFFFA0]  }
0x5a: {  	v4 =	vld [tilespmem:s22+$0xFFFFFFB0]  }
0x5b: {  	v5 =	vld [tilespmem:s22+$0xFFFFFFC0]  }
0x5c: {  	v6 =	vld [tilespmem:s22+$0xFFFFFFD0]  }
0x5d: {  	v7 =	vld [tilespmem:s22+$0xFFFFFFE0]  }
0x5e: {  	s21 =	simm.s32 $0x19780;
	v8 =	vld [tilespmem:s22+$0xFFFFFFF0]  }
0x5f: {  	v9 =	vld [tilespmem:s21+$0x70]  }
0x60: {  	v10 =	vld [tilespmem:s22+$0x0]  }
0x61: {  	v11 =	vld [tilespmem:s22+$0x10]  }
0x62: {  	v12 =	vld [tilespmem:s22+$0x20]  }
0x63: {  	v13 =	vld [tilespmem:s22+$0x30]  }
0x64: {  	v14 =	vld [tilespmem:s22+$0x40]  }
0x65: {  	v15 =	vld [tilespmem:s22+$0x50]  }
0x66: {  	v16 =	vld [tilespmem:s22+$0x60]  }
0x67: {  	v17 =	vld [tilespmem:s22+$0xFFFFFF80]  }
0x68: {  	v18 =	vld [tilespmem:s21+$0xFFFFFF80]  }
0x69: {  	v19 =	vld [tilespmem:s21+$0xFFFFFF90]  }
0x6a: {  	v20 =	vld [tilespmem:s21+$0xFFFFFFA0]  }
0x6b: {  	v21 =	vld [tilespmem:s21+$0xFFFFFFB0]  }
0x6c: {  	v22 =	vld [tilespmem:s21+$0xFFFFFFD0]  }
0x6d: {  	v47 =	vld [tilespmem:s21+$0xFFFFFFE0]  }
0x6e: {  	v49 =	vld [tilespmem:s21+$0xFFFFFFF0]  }
0x6f: {  	v50 =	vld [tilespmem:s21+$0x0]  }
0x70: {  	v51 =	vld [tilespmem:s21+$0x10]  }
0x71: {  	v1 =	vld.idx.msk [tilespmem:v1+s4+$0x0], $0xffff  }
0x72: {  	v52 =	vld [tilespmem:s21+$0x20]  }
0x73: {  	v53 =	vld [tilespmem:s21+$0x30]  }
0x74: {  	v17 =	vld.idx.msk [tilespmem:v17+s4+$0x0], $0xffff  }
0x75: {  	v54 =	vld [tilespmem:s21+$0x40]  }
0x76: {  	v55 =	vld [tilespmem:s21+$0x50];
	v9 =	vadd.f32 v9, v1  }
0x77: {  	v56 =	vld [tilespmem:s21+$0x60]  }
0x78: {  	s20 =	simm.s32 $0x1B780;
	v2 =	vld.idx.msk [tilespmem:v2+s4+$0x0], $0xffff;
	[tilespmem:s21+$0x70] =	vst v9  }
0x79: {  	v18 =	vadd.f32 v18, v17;
	v9 =	vld [tilespmem:s20+$0x70]  }
0x7a: {  	v3 =	vld.idx.msk [tilespmem:v3+s4+$0x0], $0xffff  }
0x7b: {  	v4 =	vld.idx.msk [tilespmem:v4+s4+$0x0], $0xffff;
	[tilespmem:s21+$0xFFFFFF80] =	vst v18  }
0x7c: {  	v1 =	vmul.f32 v1, v1;
	v23 =	vld [tilespmem:s20+$0xFFFFFF80]  }
0x7d: {  	v5 =	vld.idx.msk [tilespmem:v5+s4+$0x0], $0xffff  }
0x7e: {  	v1 =	vadd.f32 v9, v1;
	v9 =	vld [tilespmem:s21+$0xFFFFFFC0]  }
0x7f: {  	v6 =	vld.idx.msk [tilespmem:v6+s4+$0x0], $0xffff;
	v48 =	vadd.f32 v20, v3;
	v17 =	vmul.f32 v17, v17  }
0x80: {  	v7 =	vld.idx.msk [tilespmem:v7+s4+$0x0], $0xffff;
	[tilespmem:s20+$0x70] =	vst v1;
	v1 =	vadd.f32 v19, v2  }
0x81: {  	v8 =	vld.idx.msk [tilespmem:v8+s4+$0x0], $0xffff;
	[tilespmem:s21+$0xFFFFFFA0] =	vst v48;
	v17 =	vadd.f32 v23, v17  }
0x82: {  	v10 =	vld.idx.msk [tilespmem:v10+s4+$0x0], $0xffff;
	[tilespmem:s21+$0xFFFFFF90] =	vst v1;
	v1 =	vadd.f32 v21, v4  }
0x83: {  	v11 =	vld.idx.msk [tilespmem:v11+s4+$0x0], $0xffff;
	[tilespmem:s20+$0xFFFFFF80] =	vst v17;
	v9 =	vadd.f32 v9, v5  }
0x84: {  	v12 =	vld.idx.msk [tilespmem:v12+s4+$0x0], $0xffff;
	[tilespmem:s21+$0xFFFFFFB0] =	vst v1;
	v1 =	vadd.f32 v22, v6  }
0x85: {  	v13 =	vld.idx.msk [tilespmem:v13+s4+$0x0], $0xffff;
	[tilespmem:s21+$0xFFFFFFC0] =	vst v9;
	v9 =	vadd.f32 v47, v7  }
0x86: {  	v14 =	vld.idx.msk [tilespmem:v14+s4+$0x0], $0xffff;
	[tilespmem:s21+$0xFFFFFFD0] =	vst v1;
	v1 =	vadd.f32 v49, v8  }
0x87: {  	v15 =	vld.idx.msk [tilespmem:v15+s4+$0x0], $0xffff;
	[tilespmem:s21+$0xFFFFFFE0] =	vst v9;
	v9 =	vadd.f32 v50, v10  }
0x88: {  	v16 =	vld.idx.msk [tilespmem:v16+s4+$0x0], $0xffff;
	[tilespmem:s21+$0xFFFFFFF0] =	vst v1;
	v1 =	vadd.f32 v51, v11  }
0x89: {  	v58 =	vld [tilespmem:s20+$0xFFFFFFA0];
	[tilespmem:s21+$0x0] =	vst v9;
	v9 =	vadd.f32 v52, v12  }
0x8a: {  	v57 =	vld [tilespmem:s20+$0xFFFFFF90];
	[tilespmem:s21+$0x10] =	vst v1;
	v1 =	vadd.f32 v53, v13  }
0x8b: {  	v59 =	vld [tilespmem:s20+$0xFFFFFFB0];
	[tilespmem:s21+$0x20] =	vst v9;
	v9 =	vadd.f32 v54, v14  }
0x8c: {  	v3 =	vmul.f32 v3, v3;
	v60 =	vld [tilespmem:s20+$0xFFFFFFC0];
	[tilespmem:s21+$0x30] =	vst v1;
	v1 =	vadd.f32 v55, v15  }
0x8d: {  	v2 =	vmul.f32 v2, v2;
	v61 =	vld [tilespmem:s20+$0xFFFFFFD0];
	[tilespmem:s21+$0x40] =	vst v9;
	v9 =	vadd.f32 v56, v16  }
0x8e: {  	v3 =	vadd.f32 v58, v3;
	[tilespmem:s21+$0x50] =	vst v1;
	v1 =	vmul.f32 v4, v4;
	v4 =	vld [tilespmem:s20+$0xFFFFFFE0]  }
0x8f: {  	v5 =	vmul.f32 v5, v5;
	v2 =	vadd.f32 v57, v2;
	[tilespmem:s21+$0x60] =	vst v9;
	v9 =	vld [tilespmem:s20+$0xFFFFFFF0]  }
0x90: {  	[tilespmem:s20+$0xFFFFFFA0] =	vst v3;
	v6 =	vmul.f32 v6, v6;
	v62 =	vld [tilespmem:s20+$0x0];
	v1 =	vadd.f32 v59, v1  }
0x91: {  	[tilespmem:s20+$0xFFFFFF90] =	vst v2;
	v2 =	vmul.f32 v7, v7;
	v3 =	vadd.f32 v60, v5;
	v63 =	vld [tilespmem:s20+$0x10]  }
0x92: {  	v8 =	vmul.f32 v8, v8;
	[tilespmem:s20+$0xFFFFFFB0] =	vst v1;
	v1 =	vadd.f32 v61, v6;
	v6 =	vld [tilespmem:s20+$0x20]  }
0x93: {  	v10 =	vmul.f32 v10, v10;
	[tilespmem:s20+$0xFFFFFFC0] =	vst v3;
	v7 =	vld [tilespmem:s20+$0x30];
	v4 =	vadd.f32 v4, v2  }
0x94: {  	v11 =	vmul.f32 v11, v11;
	v2 =	vmul.f32 v13, v13;
	[tilespmem:s20+$0xFFFFFFD0] =	vst v1;
	v13 =	vadd.f32 v9, v8;
	v8 =	vld [tilespmem:s20+$0x40]  }
0x95: {  	v5 =	vmul.f32 v12, v12;
	v3 =	vmul.f32 v14, v14;
	v12 =	vadd.f32 v62, v10;
	v9 =	vld [tilespmem:s20+$0x50];
	[tilespmem:s20+$0xFFFFFFE0] =	vst v4  }
0x96: {  	s23 =	simm.s32 $0x18880;
	s22 =	simm.s32 $0x0;
	v11 =	vadd.f32 v63, v11;
	v10 =	vld [tilespmem:s20+$0x60];
	v1 =	vmul.f32 v15, v15;
	v4 =	vmul.f32 v16, v16;
	[tilespmem:s20+$0xFFFFFFF0] =	vst v13  }
.LBB2_5:
0x97: {  	v13 =	vld [tilespmem:s23+$0x70];
	s22 =	sadd.s32 $0x10, s22;
	[tilespmem:s20+$0x0] =	vst v12;
	v5 =	vadd.f32 v6, v5  }
0x98: {  	v6 =	vld [tilespmem:s23+$0xFFFFFF90];
	p1 =	slt.u32 s22, $0xF0;
	[tilespmem:s20+$0x10] =	vst v11;
	v2 =	vadd.f32 v7, v2  }
0x99: {  	v7 =	vld [tilespmem:s23+$0xFFFFFFA0];
	[tilespmem:s20+$0x20] =	vst v5;
	v3 =	vadd.f32 v8, v3  }
0x9a: {  	v5 =	vld [tilespmem:s23+$0xFFFFFFB0];
	[tilespmem:s20+$0x30] =	vst v2;
	v1 =	vadd.f32 v9, v1  }
0x9b: {  	v2 =	vld [tilespmem:s23+$0xFFFFFFC0];
	[tilespmem:s20+$0x40] =	vst v3;
	v3 =	vadd.f32 v10, v4  }
0x9c: {  	v4 =	vld [tilespmem:s23+$0xFFFFFFD0];
	[tilespmem:s20+$0x50] =	vst v1  }
0x9d: {  	v1 =	vld [tilespmem:s23+$0xFFFFFFE0];
	[tilespmem:s20+$0x60] =	vst v3  }
0x9e: {  	v3 =	vld [tilespmem:s23+$0xFFFFFFF0]  }
0x9f: {  	s21 =	sadd.s32 $0x100, s21;
	v8 =	vld.idx.msk [tilespmem:v13+s4+$0x0], $0xffff  }
0xa0: {  	v9 =	vld [tilespmem:s21+$0x70]  }
0xa1: {  	v10 =	vld [tilespmem:s23+$0x0]  }
0xa2: {  	v11 =	vld [tilespmem:s23+$0x10]  }
0xa3: {  	v12 =	vld [tilespmem:s23+$0x20]  }
0xa4: {  	v13 =	vld [tilespmem:s23+$0x30]  }
0xa5: {  	v14 =	vld [tilespmem:s23+$0x40];
	v9 =	vadd.f32 v9, v8  }
0xa6: {  	v15 =	vld [tilespmem:s23+$0x50]  }
0xa7: {  	s20 =	sadd.s32 $0x100, s20;
	v16 =	vld [tilespmem:s23+$0x60];
	[tilespmem:s21+$0x70] =	vst v9  }
0xa8: {  	v9 =	vld [tilespmem:s20+$0x70]  }
0xa9: {  	v17 =	vld [tilespmem:s23+$0xFFFFFF80]  }
0xaa: {  	v6 =	vld.idx.msk [tilespmem:v6+s4+$0x0], $0xffff  }
0xab: {  	v8 =	vmul.f32 v8, v8;
	v7 =	vld.idx.msk [tilespmem:v7+s4+$0x0], $0xffff  }
0xac: {  	v18 =	vld.idx.msk [tilespmem:v5+s4+$0x0], $0xffff  }
0xad: {  	v19 =	vld.idx.msk [tilespmem:v2+s4+$0x0], $0xffff;
	v2 =	vadd.f32 v9, v8  }
0xae: {  	v8 =	vld.idx.msk [tilespmem:v4+s4+$0x0], $0xffff  }
0xaf: {  	v9 =	vld.idx.msk [tilespmem:v1+s4+$0x0], $0xffff;
	[tilespmem:s20+$0x70] =	vst v2  }
0xb0: {  	v20 =	vmul.f32 v6, v6;
	v21 =	vld.idx.msk [tilespmem:v3+s4+$0x0], $0xffff  }
0xb1: {  	v4 =	vld.idx.msk [tilespmem:v17+s4+$0x0], $0xffff;
	v17 =	vmul.f32 v7, v7  }
0xb2: {  	v22 =	vmul.f32 v18, v18;
	v10 =	vld.idx.msk [tilespmem:v10+s4+$0x0], $0xffff  }
0xb3: {  	v23 =	vmul.f32 v19, v19;
	v11 =	vld.idx.msk [tilespmem:v11+s4+$0x0], $0xffff  }
0xb4: {  	v24 =	vmul.f32 v8, v8;
	v12 =	vld.idx.msk [tilespmem:v12+s4+$0x0], $0xffff  }
0xb5: {  	v25 =	vmul.f32 v9, v9;
	v13 =	vld.idx.msk [tilespmem:v13+s4+$0x0], $0xffff  }
0xb6: {  	v26 =	vmul.f32 v21, v21;
	v14 =	vld.idx.msk [tilespmem:v14+s4+$0x0], $0xffff  }
0xb7: {  	v27 =	vmul.f32 v4, v4;
	v15 =	vld.idx.msk [tilespmem:v15+s4+$0x0], $0xffff  }
0xb8: {  	v28 =	vmul.f32 v10, v10;
	v16 =	vld.idx.msk [tilespmem:v16+s4+$0x0], $0xffff  }
0xb9: {  	v30 =	vmul.f32 v11, v11;
	v29 =	vld [tilespmem:s21+$0xFFFFFF80]  }
0xba: {  	v5 =	vmul.f32 v12, v12;
	v31 =	vld [tilespmem:s21+$0xFFFFFF90]  }
0xbb: {  	v2 =	vmul.f32 v13, v13;
	v32 =	vld [tilespmem:s21+$0xFFFFFFA0]  }
0xbc: {  	v3 =	vmul.f32 v14, v14;
	v33 =	vld [tilespmem:s21+$0xFFFFFFB0]  }
0xbd: {  	v1 =	vmul.f32 v15, v15;
	v34 =	vld [tilespmem:s21+$0xFFFFFFC0]  }
0xbe: {  	v29 =	vadd.f32 v29, v4;
	v35 =	vld [tilespmem:s21+$0xFFFFFFD0];
	v4 =	vmul.f32 v16, v16  }
0xbf: {  	v6 =	vadd.f32 v31, v6;
	v31 =	vld [tilespmem:s21+$0xFFFFFFE0]  }
0xc0: {  	[tilespmem:s21+$0xFFFFFF80] =	vst v29;
	v7 =	vadd.f32 v32, v7;
	v29 =	vld [tilespmem:s21+$0xFFFFFFF0]  }
0xc1: {  	[tilespmem:s21+$0xFFFFFF90] =	vst v6;
	v6 =	vadd.f32 v33, v18;
	v18 =	vld [tilespmem:s21+$0x0]  }
0xc2: {  	[tilespmem:s21+$0xFFFFFFA0] =	vst v7;
	v7 =	vadd.f32 v34, v19;
	v19 =	vld [tilespmem:s21+$0x10]  }
0xc3: {  	[tilespmem:s21+$0xFFFFFFB0] =	vst v6;
	v6 =	vadd.f32 v35, v8;
	v8 =	vld [tilespmem:s21+$0x20]  }
0xc4: {  	[tilespmem:s21+$0xFFFFFFC0] =	vst v7;
	v7 =	vadd.f32 v31, v9;
	v9 =	vld [tilespmem:s21+$0x30]  }
0xc5: {  	[tilespmem:s21+$0xFFFFFFD0] =	vst v6;
	v6 =	vadd.f32 v29, v21;
	v21 =	vld [tilespmem:s21+$0x40]  }
0xc6: {  	[tilespmem:s21+$0xFFFFFFE0] =	vst v7;
	v7 =	vadd.f32 v18, v10;
	v10 =	vld [tilespmem:s21+$0x50]  }
0xc7: {  	[tilespmem:s21+$0xFFFFFFF0] =	vst v6;
	v6 =	vadd.f32 v19, v11;
	v11 =	vld [tilespmem:s21+$0x60]  }
0xc8: {  	v18 =	vld [tilespmem:s20+$0xFFFFFF80];
	[tilespmem:s21+$0x0] =	vst v7;
	v7 =	vadd.f32 v8, v12  }
0xc9: {  	v8 =	vld [tilespmem:s20+$0xFFFFFF90];
	[tilespmem:s21+$0x10] =	vst v6;
	v6 =	vadd.f32 v9, v13  }
0xca: {  	v9 =	vld [tilespmem:s20+$0xFFFFFFA0];
	[tilespmem:s21+$0x20] =	vst v7;
	v7 =	vadd.f32 v21, v14  }
0xcb: {  	v12 =	vld [tilespmem:s20+$0xFFFFFFB0];
	[tilespmem:s21+$0x30] =	vst v6;
	v6 =	vadd.f32 v10, v15  }
0xcc: {  	v10 =	vld [tilespmem:s20+$0xFFFFFFC0];
	[tilespmem:s21+$0x40] =	vst v7;
	v7 =	vadd.f32 v11, v16  }
0xcd: {  	v11 =	vadd.f32 v18, v27;
	v13 =	vld [tilespmem:s20+$0xFFFFFFD0];
	[tilespmem:s21+$0x50] =	vst v6  }
0xce: {  	v6 =	vadd.f32 v8, v20;
	v8 =	vld [tilespmem:s20+$0xFFFFFFE0];
	[tilespmem:s21+$0x60] =	vst v7  }
0xcf: {  	[tilespmem:s20+$0xFFFFFF80] =	vst v11;
	v7 =	vadd.f32 v9, v17;
	v9 =	vld [tilespmem:s20+$0xFFFFFFF0]  }
0xd0: {  	[tilespmem:s20+$0xFFFFFF90] =	vst v6;
	v6 =	vadd.f32 v12, v22;
	v11 =	vld [tilespmem:s20+$0x0]  }
0xd1: {  	[tilespmem:s20+$0xFFFFFFA0] =	vst v7;
	v7 =	vadd.f32 v10, v23;
	v10 =	vld [tilespmem:s20+$0x10]  }
.Ltmp3:
0xd2: {  	[tilespmem:s20+$0xFFFFFFB0] =	vst v6;
	v12 =	vadd.f32 v13, v24;
	v6 =	vld [tilespmem:s20+$0x20];
	(pc) =	sbr.rel @p1 .LBB2_5-.Ltmp3, $4  }
0xd3: {  	[tilespmem:s20+$0xFFFFFFC0] =	vst v7;
	v13 =	vadd.f32 v8, v25;
	v7 =	vld [tilespmem:s20+$0x30]  }
0xd4: {  	[tilespmem:s20+$0xFFFFFFD0] =	vst v12;
	v14 =	vadd.f32 v9, v26;
	v8 =	vld [tilespmem:s20+$0x40]  }
0xd5: {  	[tilespmem:s20+$0xFFFFFFE0] =	vst v13;
	v12 =	vadd.f32 v11, v28;
	v9 =	vld [tilespmem:s20+$0x50]  }
0xd6: {  	s23 =	sadd.s32 $0x100, s23;
	[tilespmem:s20+$0xFFFFFFF0] =	vst v14;
	v11 =	vadd.f32 v10, v30;
	v10 =	vld [tilespmem:s20+$0x60]  }
0xd7: {  	[tilespmem:s20+$0x0] =	vst v12;
	v5 =	vadd.f32 v6, v5  }
0xd8: {  	[tilespmem:s20+$0x10] =	vst v11;
	v2 =	vadd.f32 v7, v2  }
0xd9: {  	[tilespmem:s20+$0x20] =	vst v5;
	v3 =	vadd.f32 v8, v3  }
0xda: {  	[tilespmem:s20+$0x30] =	vst v2;
	v1 =	vadd.f32 v9, v1  }
0xdb: {  	s19 =	sor.u32 s7, s19;
	[tilespmem:s20+$0x40] =	vst v3;
	v2 =	vadd.f32 v10, v4  }
0xdc: {  	s19 =	sshrl.u32 s19, $0x3;
	[tilespmem:s20+$0x50] =	vst v1  }
0xdd: {  	s19 =	sadd.s32 s2, s19;
	[tilespmem:s20+$0x60] =	vst v2  }
0xde: {  	[tilespmem:s4], [sflag:$0x1] =	stream.strided.gather [hbm4b:s19+s12], $0x18700, s13, s12, $0x38;
	[tilespmem:$0x1D700] =	vst v63  }
0xdf: {  	_ =	swait.ge [sflag:s15], $0x18700  }
0xe0: {  	[sflag:s15] =	ssyncset.done $0x0  }
0xe1: {  	s21 =	simm.s32 $0x18780;
	[sflag:s15] =	ssyncadd.s32 $0xFFFE7900  }
0xe2: {  	v1 =	vld [tilespmem:s21+$0x70]  }
0xe3: {  	v2 =	vld [tilespmem:s21+$0xFFFFFF90]  }
0xe4: {  	v3 =	vld [tilespmem:s21+$0xFFFFFFA0]  }
0xe5: {  	v4 =	vld [tilespmem:s21+$0xFFFFFFB0]  }
0xe6: {  	v5 =	vld [tilespmem:s21+$0xFFFFFFC0]  }
0xe7: {  	v6 =	vld [tilespmem:s21+$0xFFFFFFD0]  }
0xe8: {  	v7 =	vld [tilespmem:s21+$0xFFFFFFE0]  }
0xe9: {  	s20 =	simm.s32 $0x1A780;
	v8 =	vld [tilespmem:s21+$0xFFFFFFF0]  }
0xea: {  	v9 =	vld [tilespmem:s20+$0x70]  }
0xeb: {  	v10 =	vld [tilespmem:s21+$0x0]  }
0xec: {  	v11 =	vld [tilespmem:s21+$0x10]  }
0xed: {  	v12 =	vld [tilespmem:s21+$0x20]  }
0xee: {  	v13 =	vld [tilespmem:s21+$0x30]  }
0xef: {  	v14 =	vld [tilespmem:s21+$0x40]  }
0xf0: {  	v15 =	vld [tilespmem:s21+$0x50]  }
0xf1: {  	v16 =	vld [tilespmem:s21+$0x60]  }
0xf2: {  	v17 =	vld [tilespmem:s21+$0xFFFFFF80]  }
0xf3: {  	v18 =	vld [tilespmem:s20+$0xFFFFFF80]  }
0xf4: {  	v19 =	vld [tilespmem:s20+$0xFFFFFF90]  }
0xf5: {  	v20 =	vld [tilespmem:s20+$0xFFFFFFA0]  }
0xf6: {  	v21 =	vld [tilespmem:s20+$0xFFFFFFB0]  }
0xf7: {  	v22 =	vld [tilespmem:s20+$0xFFFFFFD0]  }
0xf8: {  	v47 =	vld [tilespmem:s20+$0xFFFFFFE0]  }
0xf9: {  	v49 =	vld [tilespmem:s20+$0xFFFFFFF0]  }
0xfa: {  	v50 =	vld [tilespmem:s20+$0x0]  }
0xfb: {  	v51 =	vld [tilespmem:s20+$0x10]  }
0xfc: {  	v1 =	vld.idx.msk [tilespmem:v1+s4+$0x0], $0xffff  }
0xfd: {  	v52 =	vld [tilespmem:s20+$0x20]  }
0xfe: {  	v53 =	vld [tilespmem:s20+$0x30]  }
0xff: {  	v17 =	vld.idx.msk [tilespmem:v17+s4+$0x0], $0xffff  }
0x100: {  	v54 =	vld [tilespmem:s20+$0x40]  }
0x101: {  	v55 =	vld [tilespmem:s20+$0x50];
	v9 =	vadd.f32 v9, v1  }
0x102: {  	v56 =	vld [tilespmem:s20+$0x60]  }
0x103: {  	s19 =	simm.s32 $0x1B780;
	v2 =	vld.idx.msk [tilespmem:v2+s4+$0x0], $0xffff;
	[tilespmem:s20+$0x70] =	vst v9  }
0x104: {  	v18 =	vadd.f32 v18, v17;
	v9 =	vld [tilespmem:s19+$0x70]  }
0x105: {  	v3 =	vld.idx.msk [tilespmem:v3+s4+$0x0], $0xffff  }
0x106: {  	v4 =	vld.idx.msk [tilespmem:v4+s4+$0x0], $0xffff;
	[tilespmem:s20+$0xFFFFFF80] =	vst v18  }
0x107: {  	v1 =	vmul.f32 v1, v1;
	v23 =	vld [tilespmem:s19+$0xFFFFFF80]  }
0x108: {  	v5 =	vld.idx.msk [tilespmem:v5+s4+$0x0], $0xffff  }
0x109: {  	v1 =	vadd.f32 v9, v1;
	v9 =	vld [tilespmem:s20+$0xFFFFFFC0]  }
0x10a: {  	v6 =	vld.idx.msk [tilespmem:v6+s4+$0x0], $0xffff;
	v48 =	vadd.f32 v20, v3;
	v17 =	vmul.f32 v17, v17  }
0x10b: {  	v7 =	vld.idx.msk [tilespmem:v7+s4+$0x0], $0xffff;
	[tilespmem:s19+$0x70] =	vst v1;
	v1 =	vadd.f32 v19, v2  }
0x10c: {  	v8 =	vld.idx.msk [tilespmem:v8+s4+$0x0], $0xffff;
	[tilespmem:s20+$0xFFFFFFA0] =	vst v48;
	v17 =	vadd.f32 v23, v17  }
0x10d: {  	v10 =	vld.idx.msk [tilespmem:v10+s4+$0x0], $0xffff;
	[tilespmem:s20+$0xFFFFFF90] =	vst v1;
	v1 =	vadd.f32 v21, v4  }
0x10e: {  	v11 =	vld.idx.msk [tilespmem:v11+s4+$0x0], $0xffff;
	[tilespmem:s19+$0xFFFFFF80] =	vst v17;
	v9 =	vadd.f32 v9, v5  }
0x10f: {  	v12 =	vld.idx.msk [tilespmem:v12+s4+$0x0], $0xffff;
	[tilespmem:s20+$0xFFFFFFB0] =	vst v1;
	v1 =	vadd.f32 v22, v6  }
0x110: {  	v13 =	vld.idx.msk [tilespmem:v13+s4+$0x0], $0xffff;
	[tilespmem:s20+$0xFFFFFFC0] =	vst v9;
	v9 =	vadd.f32 v47, v7  }
0x111: {  	v14 =	vld.idx.msk [tilespmem:v14+s4+$0x0], $0xffff;
	[tilespmem:s20+$0xFFFFFFD0] =	vst v1;
	v1 =	vadd.f32 v49, v8  }
0x112: {  	v15 =	vld.idx.msk [tilespmem:v15+s4+$0x0], $0xffff;
	[tilespmem:s20+$0xFFFFFFE0] =	vst v9;
	v9 =	vadd.f32 v50, v10  }
0x113: {  	v16 =	vld.idx.msk [tilespmem:v16+s4+$0x0], $0xffff;
	[tilespmem:s20+$0xFFFFFFF0] =	vst v1;
	v1 =	vadd.f32 v51, v11  }
0x114: {  	v58 =	vld [tilespmem:s19+$0xFFFFFFA0];
	[tilespmem:s20+$0x0] =	vst v9;
	v9 =	vadd.f32 v52, v12  }
0x115: {  	v57 =	vld [tilespmem:s19+$0xFFFFFF90];
	[tilespmem:s20+$0x10] =	vst v1;
	v1 =	vadd.f32 v53, v13  }
0x116: {  	v59 =	vld [tilespmem:s19+$0xFFFFFFB0];
	[tilespmem:s20+$0x20] =	vst v9;
	v9 =	vadd.f32 v54, v14  }
0x117: {  	v3 =	vmul.f32 v3, v3;
	v60 =	vld [tilespmem:s19+$0xFFFFFFC0];
	[tilespmem:s20+$0x30] =	vst v1;
	v1 =	vadd.f32 v55, v15  }
0x118: {  	v2 =	vmul.f32 v2, v2;
	v61 =	vld [tilespmem:s19+$0xFFFFFFD0];
	[tilespmem:s20+$0x40] =	vst v9;
	v9 =	vadd.f32 v56, v16  }
0x119: {  	v3 =	vadd.f32 v58, v3;
	[tilespmem:s20+$0x50] =	vst v1;
	v1 =	vmul.f32 v4, v4;
	v4 =	vld [tilespmem:s19+$0xFFFFFFE0]  }
0x11a: {  	v5 =	vmul.f32 v5, v5;
	v2 =	vadd.f32 v57, v2;
	[tilespmem:s20+$0x60] =	vst v9;
	v9 =	vld [tilespmem:s19+$0xFFFFFFF0]  }
0x11b: {  	[tilespmem:s19+$0xFFFFFFA0] =	vst v3;
	v6 =	vmul.f32 v6, v6;
	v62 =	vld [tilespmem:s19+$0x0];
	v1 =	vadd.f32 v59, v1  }
0x11c: {  	[tilespmem:s19+$0xFFFFFF90] =	vst v2;
	v2 =	vmul.f32 v7, v7;
	v3 =	vadd.f32 v60, v5;
	v63 =	vld [tilespmem:s19+$0x10]  }
0x11d: {  	v8 =	vmul.f32 v8, v8;
	[tilespmem:s19+$0xFFFFFFB0] =	vst v1;
	v1 =	vadd.f32 v61, v6;
	v6 =	vld [tilespmem:s19+$0x20]  }
0x11e: {  	v10 =	vmul.f32 v10, v10;
	[tilespmem:s19+$0xFFFFFFC0] =	vst v3;
	v7 =	vld [tilespmem:s19+$0x30];
	v4 =	vadd.f32 v4, v2  }
0x11f: {  	v11 =	vmul.f32 v11, v11;
	v2 =	vmul.f32 v13, v13;
	[tilespmem:s19+$0xFFFFFFD0] =	vst v1;
	v13 =	vadd.f32 v9, v8;
	v8 =	vld [tilespmem:s19+$0x40]  }
0x120: {  	v5 =	vmul.f32 v12, v12;
	v3 =	vmul.f32 v14, v14;
	v12 =	vadd.f32 v62, v10;
	v9 =	vld [tilespmem:s19+$0x50];
	[tilespmem:s19+$0xFFFFFFE0] =	vst v4  }
0x121: {  	s22 =	simm.s32 $0x18880;
	s21 =	simm.s32 $0x0;
	v11 =	vadd.f32 v63, v11;
	v10 =	vld [tilespmem:s19+$0x60];
	v1 =	vmul.f32 v15, v15;
	v4 =	vmul.f32 v16, v16;
	[tilespmem:s19+$0xFFFFFFF0] =	vst v13  }
.LBB2_7:
0x122: {  	v13 =	vld [tilespmem:s22+$0x70];
	s21 =	sadd.s32 $0x10, s21;
	[tilespmem:s19+$0x0] =	vst v12;
	v5 =	vadd.f32 v6, v5  }
0x123: {  	v6 =	vld [tilespmem:s22+$0xFFFFFF90];
	p1 =	slt.u32 s21, $0xF0;
	[tilespmem:s19+$0x10] =	vst v11;
	v2 =	vadd.f32 v7, v2  }
0x124: {  	v7 =	vld [tilespmem:s22+$0xFFFFFFA0];
	[tilespmem:s19+$0x20] =	vst v5;
	v3 =	vadd.f32 v8, v3  }
0x125: {  	v5 =	vld [tilespmem:s22+$0xFFFFFFB0];
	[tilespmem:s19+$0x30] =	vst v2;
	v1 =	vadd.f32 v9, v1  }
0x126: {  	v2 =	vld [tilespmem:s22+$0xFFFFFFC0];
	[tilespmem:s19+$0x40] =	vst v3;
	v3 =	vadd.f32 v10, v4  }
0x127: {  	v4 =	vld [tilespmem:s22+$0xFFFFFFD0];
	[tilespmem:s19+$0x50] =	vst v1  }
0x128: {  	v1 =	vld [tilespmem:s22+$0xFFFFFFE0];
	[tilespmem:s19+$0x60] =	vst v3  }
0x129: {  	v3 =	vld [tilespmem:s22+$0xFFFFFFF0]  }
0x12a: {  	s20 =	sadd.s32 $0x100, s20;
	v8 =	vld.idx.msk [tilespmem:v13+s4+$0x0], $0xffff  }
0x12b: {  	v9 =	vld [tilespmem:s20+$0x70]  }
0x12c: {  	v10 =	vld [tilespmem:s22+$0x0]  }
0x12d: {  	v11 =	vld [tilespmem:s22+$0x10]  }
0x12e: {  	v12 =	vld [tilespmem:s22+$0x20]  }
0x12f: {  	v13 =	vld [tilespmem:s22+$0x30]  }
0x130: {  	v14 =	vld [tilespmem:s22+$0x40];
	v9 =	vadd.f32 v9, v8  }
0x131: {  	v15 =	vld [tilespmem:s22+$0x50]  }
0x132: {  	s19 =	sadd.s32 $0x100, s19;
	v16 =	vld [tilespmem:s22+$0x60];
	[tilespmem:s20+$0x70] =	vst v9  }
0x133: {  	v9 =	vld [tilespmem:s19+$0x70]  }
0x134: {  	v17 =	vld [tilespmem:s22+$0xFFFFFF80]  }
0x135: {  	v6 =	vld.idx.msk [tilespmem:v6+s4+$0x0], $0xffff  }
0x136: {  	v8 =	vmul.f32 v8, v8;
	v7 =	vld.idx.msk [tilespmem:v7+s4+$0x0], $0xffff  }
0x137: {  	v18 =	vld.idx.msk [tilespmem:v5+s4+$0x0], $0xffff  }
0x138: {  	v19 =	vld.idx.msk [tilespmem:v2+s4+$0x0], $0xffff;
	v2 =	vadd.f32 v9, v8  }
0x139: {  	v8 =	vld.idx.msk [tilespmem:v4+s4+$0x0], $0xffff  }
0x13a: {  	v9 =	vld.idx.msk [tilespmem:v1+s4+$0x0], $0xffff;
	[tilespmem:s19+$0x70] =	vst v2  }
0x13b: {  	v20 =	vmul.f32 v6, v6;
	v21 =	vld.idx.msk [tilespmem:v3+s4+$0x0], $0xffff  }
0x13c: {  	v4 =	vld.idx.msk [tilespmem:v17+s4+$0x0], $0xffff;
	v17 =	vmul.f32 v7, v7  }
0x13d: {  	v22 =	vmul.f32 v18, v18;
	v10 =	vld.idx.msk [tilespmem:v10+s4+$0x0], $0xffff  }
0x13e: {  	v23 =	vmul.f32 v19, v19;
	v11 =	vld.idx.msk [tilespmem:v11+s4+$0x0], $0xffff  }
0x13f: {  	v24 =	vmul.f32 v8, v8;
	v12 =	vld.idx.msk [tilespmem:v12+s4+$0x0], $0xffff  }
0x140: {  	v25 =	vmul.f32 v9, v9;
	v13 =	vld.idx.msk [tilespmem:v13+s4+$0x0], $0xffff  }
0x141: {  	v26 =	vmul.f32 v21, v21;
	v14 =	vld.idx.msk [tilespmem:v14+s4+$0x0], $0xffff  }
0x142: {  	v27 =	vmul.f32 v4, v4;
	v15 =	vld.idx.msk [tilespmem:v15+s4+$0x0], $0xffff  }
0x143: {  	v28 =	vmul.f32 v10, v10;
	v16 =	vld.idx.msk [tilespmem:v16+s4+$0x0], $0xffff  }
0x144: {  	v30 =	vmul.f32 v11, v11;
	v29 =	vld [tilespmem:s20+$0xFFFFFF80]  }
0x145: {  	v5 =	vmul.f32 v12, v12;
	v31 =	vld [tilespmem:s20+$0xFFFFFF90]  }
0x146: {  	v2 =	vmul.f32 v13, v13;
	v32 =	vld [tilespmem:s20+$0xFFFFFFA0]  }
0x147: {  	v3 =	vmul.f32 v14, v14;
	v33 =	vld [tilespmem:s20+$0xFFFFFFB0]  }
0x148: {  	v1 =	vmul.f32 v15, v15;
	v34 =	vld [tilespmem:s20+$0xFFFFFFC0]  }
0x149: {  	v29 =	vadd.f32 v29, v4;
	v35 =	vld [tilespmem:s20+$0xFFFFFFD0];
	v4 =	vmul.f32 v16, v16  }
0x14a: {  	v6 =	vadd.f32 v31, v6;
	v31 =	vld [tilespmem:s20+$0xFFFFFFE0]  }
0x14b: {  	[tilespmem:s20+$0xFFFFFF80] =	vst v29;
	v7 =	vadd.f32 v32, v7;
	v29 =	vld [tilespmem:s20+$0xFFFFFFF0]  }
0x14c: {  	[tilespmem:s20+$0xFFFFFF90] =	vst v6;
	v6 =	vadd.f32 v33, v18;
	v18 =	vld [tilespmem:s20+$0x0]  }
0x14d: {  	[tilespmem:s20+$0xFFFFFFA0] =	vst v7;
	v7 =	vadd.f32 v34, v19;
	v19 =	vld [tilespmem:s20+$0x10]  }
0x14e: {  	[tilespmem:s20+$0xFFFFFFB0] =	vst v6;
	v6 =	vadd.f32 v35, v8;
	v8 =	vld [tilespmem:s20+$0x20]  }
0x14f: {  	[tilespmem:s20+$0xFFFFFFC0] =	vst v7;
	v7 =	vadd.f32 v31, v9;
	v9 =	vld [tilespmem:s20+$0x30]  }
0x150: {  	[tilespmem:s20+$0xFFFFFFD0] =	vst v6;
	v6 =	vadd.f32 v29, v21;
	v21 =	vld [tilespmem:s20+$0x40]  }
0x151: {  	[tilespmem:s20+$0xFFFFFFE0] =	vst v7;
	v7 =	vadd.f32 v18, v10;
	v10 =	vld [tilespmem:s20+$0x50]  }
0x152: {  	[tilespmem:s20+$0xFFFFFFF0] =	vst v6;
	v6 =	vadd.f32 v19, v11;
	v11 =	vld [tilespmem:s20+$0x60]  }
0x153: {  	v18 =	vld [tilespmem:s19+$0xFFFFFF80];
	[tilespmem:s20+$0x0] =	vst v7;
	v7 =	vadd.f32 v8, v12  }
0x154: {  	v8 =	vld [tilespmem:s19+$0xFFFFFF90];
	[tilespmem:s20+$0x10] =	vst v6;
	v6 =	vadd.f32 v9, v13  }
0x155: {  	v9 =	vld [tilespmem:s19+$0xFFFFFFA0];
	[tilespmem:s20+$0x20] =	vst v7;
	v7 =	vadd.f32 v21, v14  }
0x156: {  	v12 =	vld [tilespmem:s19+$0xFFFFFFB0];
	[tilespmem:s20+$0x30] =	vst v6;
	v6 =	vadd.f32 v10, v15  }
0x157: {  	v10 =	vld [tilespmem:s19+$0xFFFFFFC0];
	[tilespmem:s20+$0x40] =	vst v7;
	v7 =	vadd.f32 v11, v16  }
0x158: {  	v11 =	vadd.f32 v18, v27;
	v13 =	vld [tilespmem:s19+$0xFFFFFFD0];
	[tilespmem:s20+$0x50] =	vst v6  }
0x159: {  	v6 =	vadd.f32 v8, v20;
	v8 =	vld [tilespmem:s19+$0xFFFFFFE0];
	[tilespmem:s20+$0x60] =	vst v7  }
0x15a: {  	[tilespmem:s19+$0xFFFFFF80] =	vst v11;
	v7 =	vadd.f32 v9, v17;
	v9 =	vld [tilespmem:s19+$0xFFFFFFF0]  }
0x15b: {  	[tilespmem:s19+$0xFFFFFF90] =	vst v6;
	v6 =	vadd.f32 v12, v22;
	v11 =	vld [tilespmem:s19+$0x0]  }
0x15c: {  	[tilespmem:s19+$0xFFFFFFA0] =	vst v7;
	v7 =	vadd.f32 v10, v23;
	v10 =	vld [tilespmem:s19+$0x10]  }
.Ltmp4:
0x15d: {  	[tilespmem:s19+$0xFFFFFFB0] =	vst v6;
	v12 =	vadd.f32 v13, v24;
	v6 =	vld [tilespmem:s19+$0x20];
	(pc) =	sbr.rel @p1 .LBB2_7-.Ltmp4, $4  }
0x15e: {  	[tilespmem:s19+$0xFFFFFFC0] =	vst v7;
	v13 =	vadd.f32 v8, v25;
	v7 =	vld [tilespmem:s19+$0x30]  }
0x15f: {  	[tilespmem:s19+$0xFFFFFFD0] =	vst v12;
	v14 =	vadd.f32 v9, v26;
	v8 =	vld [tilespmem:s19+$0x40]  }
0x160: {  	[tilespmem:s19+$0xFFFFFFE0] =	vst v13;
	v12 =	vadd.f32 v11, v28;
	v9 =	vld [tilespmem:s19+$0x50]  }
0x161: {  	s22 =	sadd.s32 $0x100, s22;
	[tilespmem:s19+$0xFFFFFFF0] =	vst v14;
	v11 =	vadd.f32 v10, v30;
	v10 =	vld [tilespmem:s19+$0x60]  }
0x162: {  	[tilespmem:s19+$0x0] =	vst v12;
	v5 =	vadd.f32 v6, v5;
	s18 =	sadd.s32 $0x1, s18  }
0x163: {  	[tilespmem:s19+$0x10] =	vst v11;
	v2 =	vadd.f32 v7, v2;
	p1 =	sne.s32 s18, $0x1A  }
.Ltmp5:
0x164: {  	[tilespmem:s19+$0x20] =	vst v5;
	v3 =	vadd.f32 v8, v3;
	(pc) =	sbr.rel @p1 .LBB2_4-.Ltmp5, $4  }
0x165: {  	[tilespmem:s19+$0x30] =	vst v2;
	v1 =	vadd.f32 v9, v1  }
0x166: {  	[tilespmem:s19+$0x40] =	vst v3;
	v2 =	vadd.f32 v10, v4  }
0x167: {  	[tilespmem:s19+$0x50] =	vst v1  }
0x168: {  	[tilespmem:s19+$0x60] =	vst v2  }
0x169: {  	s20 =	simm.s32 $0x19740  }
0x16a: {  	s18 =	simm.s32 $0x1A740;
	v1 =	vld [tilespmem:s20+$0x30]  }
0x16b: {  	v2 =	vld [tilespmem:s18+$0x30]  }
0x16c: {  	v3 =	vld [tilespmem:s18+$0xFFFFFFC0]  }
0x16d: {  	v4 =	vld [tilespmem:s20+$0xFFFFFFD0]  }
0x16e: {  	s19 =	simm.s32 $0x1B740;
	v5 =	vld [tilespmem:s18+$0xFFFFFFD0]  }
0x16f: {  	v6 =	vld [tilespmem:s19+$0x30]  }
0x170: {  	v7 =	vld [tilespmem:s20+$0xFFFFFFE0]  }
0x171: {  	v8 =	vld [tilespmem:s18+$0xFFFFFFE0]  }
0x172: {  	v9 =	vld [tilespmem:s20+$0xFFFFFFF0]  }
0x173: {  	v10 =	vld [tilespmem:s18+$0xFFFFFFF0]  }
0x174: {  	v11 =	vld [tilespmem:s20+$0x0]  }
0x175: {  	v12 =	vld [tilespmem:s18+$0x0]  }
0x176: {  	v13 =	vld [tilespmem:s20+$0x10];
	v1 =	vmul.f32 v1, v1  }
0x177: {  	v16 =	vld [tilespmem:s20+$0x20];
	v2 =	vmul.f32 v2, v2;
	v15 =	vmul.f32 v3, v3  }
0x178: {  	v14 =	vld [tilespmem:s18+$0x10];
	v3 =	vmul.f32 v4, v4;
	v4 =	vmul.f32 v5, v5  }
0x179: {  	v17 =	vld [tilespmem:s20+$0xFFFFFFC0];
	v7 =	vmul.f32 v7, v7;
	v8 =	vmul.f32 v8, v8  }
0x17a: {  	v5 =	vld [tilespmem:s18+$0x20];
	v9 =	vmul.f32 v9, v9;
	v10 =	vmul.f32 v10, v10  }
0x17b: {  	v19 =	vld [tilespmem:s19+$0xFFFFFFD0];
	v12 =	vmul.f32 v12, v12;
	v1 =	vadd.f32 v2, v1;
	v18 =	vadd.f32 v4, v3  }
0x17c: {  	v2 =	vld [tilespmem:s19+$0xFFFFFFC0];
	v4 =	vmul.f32 v11, v11;
	v3 =	vadd.f32 v10, v9;
	v9 =	vmul.f32 v16, v16  }
0x17d: {  	v11 =	vld [tilespmem:s19+$0xFFFFFFE0];
	v6 =	vsub.f32 v1, v6;
	v1 =	vadd.f32 v8, v7;
	v7 =	vmul.f32 v13, v13  }
0x17e: {  	v13 =	vmul.f32 v14, v14;
	v8 =	vld [tilespmem:s19+$0xFFFFFFF0];
	v4 =	vadd.f32 v12, v4;
	v12 =	vmul.f32 v17, v17  }
0x17f: {  	v10 =	vld [tilespmem:s19+$0x0];
	v14 =	vmul.f32 v5, v5;
	v63 =	vmul.f32 $5.000000000e-01, v6  }
0x180: {  	s20 =	simm.s32 $0x1C740;
	v5 =	vadd.f32 v13, v7;
	v7 =	vld [tilespmem:s19+$0x10];
	v12 =	vadd.f32 v15, v12  }
0x181: {  	s21 =	simm.s32 $0x0;
	s22 =	simm.s32 $0x197C0;
	v13 =	vsub.f32 v18, v19;
	v6 =	vadd.f32 v14, v9;
	v9 =	vld [tilespmem:s19+$0x20];
	[tilespmem:s20+$0x30] =	vst v63  }
.LBB2_10:
0x182: {  	v14 =	vld [tilespmem:s22+$0x30];
	v1 =	vsub.f32 v1, v11;
	s18 =	sadd.s32 $0x80, s18  }
0x183: {  	s21 =	sadd.s32 $0x8, s21;
	v11 =	vld [tilespmem:s18+$0x30];
	v2 =	vsub.f32 v12, v2;
	v12 =	vmul.f32 $5.000000000e-01, v13;
	v3 =	vsub.f32 v3, v8  }
0x184: {  	p1 =	slt.u32 s21, $0xF8;
	v8 =	vld [tilespmem:s18+$0xFFFFFFC0];
	v1 =	vmul.f32 $5.000000000e-01, v1;
	v4 =	vsub.f32 v4, v10  }
0x185: {  	v10 =	vld [tilespmem:s22+$0xFFFFFFD0];
	v2 =	vmul.f32 $5.000000000e-01, v2;
	[tilespmem:s20+$0xFFFFFFD0] =	vst v12;
	v3 =	vmul.f32 $5.000000000e-01, v3;
	v5 =	vsub.f32 v5, v7  }
0x186: {  	s19 =	sadd.s32 $0x80, s19;
	v7 =	vld [tilespmem:s18+$0xFFFFFFD0];
	[tilespmem:s20+$0xFFFFFFE0] =	vst v1;
	v1 =	vmul.f32 $5.000000000e-01, v4;
	v4 =	vsub.f32 v6, v9  }
0x187: {  	v6 =	vld [tilespmem:s19+$0x30];
	[tilespmem:s20+$0xFFFFFFC0] =	vst v2;
	v2 =	vmul.f32 $5.000000000e-01, v5  }
0x188: {  	v9 =	vmul.f32 v14, v14;
	v5 =	vld [tilespmem:s22+$0xFFFFFFE0];
	v11 =	vmul.f32 v11, v11;
	[tilespmem:s20+$0xFFFFFFF0] =	vst v3  }
0x189: {  	v12 =	vmul.f32 v8, v8;
	v3 =	vld [tilespmem:s18+$0xFFFFFFE0];
	[tilespmem:s20+$0x0] =	vst v1;
	v1 =	vmul.f32 $5.000000000e-01, v4  }
0x18a: {  	v4 =	vmul.f32 v10, v10;
	v8 =	vld [tilespmem:s22+$0xFFFFFFF0];
	v9 =	vadd.f32 v11, v9;
	[tilespmem:s20+$0x10] =	vst v2  }
0x18b: {  	v2 =	vmul.f32 v7, v7;
	v7 =	vld [tilespmem:s18+$0xFFFFFFF0];
	[tilespmem:s20+$0x20] =	vst v1  }
0x18c: {  	v10 =	vld [tilespmem:s22+$0x0];
	v1 =	vsub.f32 v9, v6  }
0x18d: {  	v9 =	vadd.f32 v2, v4;
	v2 =	vmul.f32 v5, v5;
	v4 =	vld [tilespmem:s18+$0x0]  }
0x18e: {  	v3 =	vmul.f32 v3, v3;
	v5 =	vld [tilespmem:s22+$0x10];
	v6 =	vmul.f32 $5.000000000e-01, v1  }
0x18f: {  	s20 =	sadd.s32 $0x80, s20;
	v8 =	vmul.f32 v8, v8;
	v11 =	vld [tilespmem:s18+$0x10]  }
0x190: {  	v1 =	vadd.f32 v3, v2;
	v2 =	vmul.f32 v7, v7;
	v7 =	vld [tilespmem:s22+$0x20];
	[tilespmem:s20+$0x30] =	vst v6  }
0x191: {  	v6 =	vmul.f32 v10, v10;
	v10 =	vld [tilespmem:s18+$0x20]  }
0x192: {  	v13 =	vld [tilespmem:s22+$0xFFFFFFC0];
	v3 =	vadd.f32 v2, v8;
	v4 =	vmul.f32 v4, v4  }
0x193: {  	v2 =	vld [tilespmem:s19+$0xFFFFFFC0];
	v5 =	vmul.f32 v5, v5  }
0x194: {  	v14 =	vld [tilespmem:s19+$0xFFFFFFD0];
	v4 =	vadd.f32 v4, v6;
	v6 =	vmul.f32 v11, v11  }
.Ltmp6:
0x195: {  	v11 =	vld [tilespmem:s19+$0xFFFFFFE0];
	v15 =	vmul.f32 v7, v7;
	(pc) =	sbr.rel @p1 .LBB2_10-.Ltmp6, $4  }
0x196: {  	v8 =	vld [tilespmem:s19+$0xFFFFFFF0];
	v5 =	vadd.f32 v6, v5;
	v6 =	vmul.f32 v10, v10  }
0x197: {  	v13 =	vmul.f32 v13, v13;
	v10 =	vld [tilespmem:s19+$0x0]  }
0x198: {  	v7 =	vld [tilespmem:s19+$0x10];
	v6 =	vadd.f32 v6, v15  }
0x199: {  	s22 =	sadd.s32 $0x80, s22;
	v12 =	vadd.f32 v12, v13;
	v13 =	vsub.f32 v9, v14;
	v9 =	vld [tilespmem:s19+$0x20]  }
0x19a: {  	v1 =	vsub.f32 v1, v11  }
0x19b: {  	v2 =	vsub.f32 v12, v2;
	v62 =	vmul.f32 $5.000000000e-01, v13  }
0x19c: {  	v3 =	vsub.f32 v3, v8;
	v1 =	vmul.f32 $5.000000000e-01, v1  }
0x19d: {  	v4 =	vsub.f32 v4, v10;
	v2 =	vmul.f32 $5.000000000e-01, v2;
	[tilespmem:s20+$0xFFFFFFD0] =	vst v62  }
0x19e: {  	v3 =	vmul.f32 $5.000000000e-01, v3;
	v5 =	vsub.f32 v5, v7;
	[tilespmem:s20+$0xFFFFFFE0] =	vst v1  }
.Ltmp7:
0x19f: {  	v1 =	vmul.f32 $5.000000000e-01, v4;
	v63 =	vsub.f32 v6, v9;
	[tilespmem:s20+$0xFFFFFFC0] =	vst v2;
	(pc) =	sbr.rel @p0 .LBB2_15-.Ltmp7, $4  }
0x1a0: {  	v2 =	vmul.f32 $5.000000000e-01, v5;
	[tilespmem:s20+$0xFFFFFFF0] =	vst v3  }
0x1a1: {  	[tilespmem:s20+$0x0] =	vst v1;
	v1 =	vmul.f32 $5.000000000e-01, v63  }
0x1a2: {  	[tilespmem:s20+$0x10] =	vst v2  }
0x1a3: {  	[tilespmem:s20+$0x20] =	vst v1  }
0x1a4: {  	[tilespmem:s14], [sflag:$0x1] =	stream.strided.gather [hbm4b:s8+s12], $0x1000, s13, s12, $0x38;
	[tilespmem:$0x1D700] =	vst v63  }
0x1a5: {  	_ =	swait.ge [sflag:s15], $0x1000  }
0x1a6: {  	[sflag:s15] =	ssyncset.done $0x0  }
0x1a7: {  	[sflag:s15] =	ssyncadd.s32 $0xFFFFF000  }
0x1a8: {  	[tilespmem:s4], [sflag:$0x1] =	stream.strided.gather [hbm4b:s9+s12], $0x18700, s13, s12, $0x38;
	[tilespmem:$0x1D700] =	vst v63  }
0x1a9: {  	_ =	swait.ge [sflag:s15], $0x18700  }
0x1aa: {  	[sflag:s15] =	ssyncset.done $0x0  }
0x1ab: {  	s18 =	simm.s32 $0x18740;
	[sflag:s15] =	ssyncadd.s32 $0xFFFE7900  }
0x1ac: {  	v1 =	vld [tilespmem:s18+$0x30]  }
0x1ad: {  	v2 =	vld [tilespmem:s18+$0xFFFFFFC0]  }
0x1ae: {  	v3 =	vld [tilespmem:s18+$0xFFFFFFD0]  }
0x1af: {  	v4 =	vld [tilespmem:s18+$0xFFFFFFE0]  }
0x1b0: {  	v5 =	vld [tilespmem:s18+$0xFFFFFFF0]  }
0x1b1: {  	v6 =	vld [tilespmem:s18+$0x0]  }
0x1b2: {  	v7 =	vld [tilespmem:s18+$0x10]  }
0x1b3: {  	v8 =	vld [tilespmem:s18+$0x20];
	s18 =	simm.s32 $0x1C740  }
0x1b4: {  	v12 =	vld [tilespmem:s18+$0x30]  }
0x1b5: {  	v15 =	vld [tilespmem:s18+$0xFFFFFFE0]  }
0x1b6: {  	v10 =	vld [tilespmem:s18+$0xFFFFFFF0]  }
0x1b7: {  	v9 =	vld [tilespmem:s18+$0x0]  }
0x1b8: {  	v11 =	vld.idx.msk [tilespmem:v1+s4+$0x0], $0xffff  }
0x1b9: {  	v1 =	vld.idx.msk [tilespmem:v2+s4+$0x0], $0xffff  }
0x1ba: {  	v13 =	vld.idx.msk [tilespmem:v3+s4+$0x0], $0xffff  }
0x1bb: {  	v14 =	vld.idx.msk [tilespmem:v4+s4+$0x0], $0xffff  }
0x1bc: {  	v2 =	vld.idx.msk [tilespmem:v8+s4+$0x0], $0xffff  }
0x1bd: {  	v8 =	vld [tilespmem:s18+$0xFFFFFFD0]  }
0x1be: {  	v5 =	vld.idx.msk [tilespmem:v5+s4+$0x0], $0xffff  }
0x1bf: {  	v4 =	vld.idx.msk [tilespmem:v6+s4+$0x0], $0xffff  }
0x1c0: {  	v3 =	vld.idx.msk [tilespmem:v7+s4+$0x0], $0xffff  }
0x1c1: {  	v7 =	vld [tilespmem:s18+$0x10];
	v11 =	vadd.f32 v11, v12  }
0x1c2: {  	v6 =	vld [tilespmem:s18+$0x20];
	v12 =	vadd.f32 v13, v8  }
0x1c3: {  	s19 =	simm.s32 $0x0;
	s20 =	simm.s32 $0x187C0;
	v8 =	vld [tilespmem:s18+$0xFFFFFFC0];
	[tilespmem:s18+$0x30] =	vst v11;
	v11 =	vadd.f32 v14, v15  }
.LBB2_13:
0x1c4: {  	v13 =	vld [tilespmem:s20+$0x30];
	s19 =	sadd.s32 $0x8, s19;
	[tilespmem:s18+$0xFFFFFFD0] =	vst v12;
	v5 =	vadd.f32 v5, v10  }
0x1c5: {  	v10 =	vld [tilespmem:s20+$0xFFFFFFC0];
	p1 =	slt.u32 s19, $0xF8;
	[tilespmem:s18+$0xFFFFFFE0] =	vst v11;
	v4 =	vadd.f32 v4, v9  }
0x1c6: {  	v9 =	vld [tilespmem:s20+$0xFFFFFFD0];
	[tilespmem:s18+$0xFFFFFFF0] =	vst v5;
	v3 =	vadd.f32 v3, v7  }
0x1c7: {  	v5 =	vld [tilespmem:s20+$0xFFFFFFE0];
	[tilespmem:s18+$0x0] =	vst v4;
	v2 =	vadd.f32 v2, v6  }
0x1c8: {  	v4 =	vld [tilespmem:s20+$0xFFFFFFF0];
	v1 =	vadd.f32 v1, v8;
	[tilespmem:s18+$0x10] =	vst v3  }
0x1c9: {  	v3 =	vld [tilespmem:s20+$0x0];
	[tilespmem:s18+$0x20] =	vst v2  }
0x1ca: {  	v2 =	vld [tilespmem:s20+$0x10];
	[tilespmem:s18+$0xFFFFFFC0] =	vst v1  }
0x1cb: {  	v6 =	vld [tilespmem:s20+$0x20]  }
0x1cc: {  	s18 =	sadd.s32 $0x80, s18;
	v7 =	vld.idx.msk [tilespmem:v13+s4+$0x0], $0xffff  }
0x1cd: {  	v8 =	vld [tilespmem:s18+$0x30]  }
0x1ce: {  	v1 =	vld.idx.msk [tilespmem:v10+s4+$0x0], $0xffff  }
0x1cf: {  	v11 =	vld.idx.msk [tilespmem:v9+s4+$0x0], $0xffff  }
0x1d0: {  	v13 =	vld.idx.msk [tilespmem:v5+s4+$0x0], $0xffff  }
0x1d1: {  	v5 =	vld.idx.msk [tilespmem:v4+s4+$0x0], $0xffff  }
0x1d2: {  	v4 =	vld.idx.msk [tilespmem:v3+s4+$0x0], $0xffff;
	v7 =	vadd.f32 v7, v8  }
0x1d3: {  	v3 =	vld.idx.msk [tilespmem:v2+s4+$0x0], $0xffff  }
0x1d4: {  	v2 =	vld.idx.msk [tilespmem:v6+s4+$0x0], $0xffff;
	[tilespmem:s18+$0x30] =	vst v7  }
0x1d5: {  	v6 =	vld [tilespmem:s18+$0xFFFFFFD0]  }
0x1d6: {  	v14 =	vld [tilespmem:s18+$0xFFFFFFE0]  }
.Ltmp8:
0x1d7: {  	v10 =	vld [tilespmem:s18+$0xFFFFFFF0];
	(pc) =	sbr.rel @p1 .LBB2_13-.Ltmp8, $4  }
0x1d8: {  	v9 =	vld [tilespmem:s18+$0x0]  }
0x1d9: {  	v7 =	vld [tilespmem:s18+$0x10]  }
0x1da: {  	v12 =	vadd.f32 v11, v6;
	v6 =	vld [tilespmem:s18+$0x20]  }
0x1db: {  	s20 =	sadd.s32 $0x80, s20;
	v8 =	vld [tilespmem:s18+$0xFFFFFFC0];
	v11 =	vadd.f32 v13, v14  }
0x1dc: {  	[tilespmem:s18+$0xFFFFFFD0] =	vst v12;
	v5 =	vadd.f32 v5, v10  }
0x1dd: {  	[tilespmem:s18+$0xFFFFFFE0] =	vst v11;
	v4 =	vadd.f32 v4, v9  }
.Ltmp9:
0x1de: {  	[tilespmem:s18+$0xFFFFFFF0] =	vst v5;
	v3 =	vadd.f32 v3, v7;
	(pc) =	sbr.rel .LBB2_15-.Ltmp9, $4  }
0x1df: {  	[tilespmem:s18+$0x0] =	vst v4;
	v2 =	vadd.f32 v2, v6  }
0x1e0: {  	v1 =	vadd.f32 v1, v8;
	[tilespmem:s18+$0x10] =	vst v3  }
0x1e1: {  	[tilespmem:s18+$0x20] =	vst v2  }
0x1e2: {  	[tilespmem:s18+$0xFFFFFFC0] =	vst v1  }
.LBB2_16:
0x1e3: {  	_ =	sfence.sel $0x180000  }
0x1e4: {  	[bflag:$0x0] =	sbarrier.arrive $0xFFFF  }
0x1e5: {  	p0 =	sne.s32 s1, $0x0;
	_ =	strace $0x90000047  }
0x1e6: {  	s0 =	sadd.s32 @!p0 $0x100000, s0;
	[bflag:$0x2] =	sbarrier.arrive $0xFFFF  }
0x1e7: {  	[sflag:s0] =	ssyncadd.tile.s32 @!p0 $0x1;
	_ =	shalt  }
.Lfunc_end2:
_tile_overlayer_lowered:
.L_overlay_start_2:
0x1e8: {  	(tag) =	ssettag $0x2  }
0x1e9: {  	s0 =	rddreg [dreg:$0x0];
	s2 =	stileid.u32  }
0x1ea: {  	s1 =	rddreg [dreg:$0x1];
	p0 =	sne.s32 s2, $0x0  }
0x1eb: {  	s3 =	rddreg [dreg:$0x2];
	[bflag:$0x3] =	sbarrier.arrive $0xFFFF;
	s2 =	simm.s32 @!p0 $0x1C01  }
0x1ec: {  	[timem:s3], [sflag:s2] =	dma.local @!p0 [hbm:s0], s1  }
0x1ed: {  	s0 =	simm.s32 @!p0 $0x1  }
0x1ee: {  	_ =	swait.ge @!p0 [sflag:s0], s1  }
0x1ef: {  	s1 =	ssub.s32 @!p0 $0x0, s1;
	[sflag:s0] =	ssyncset.done @!p0 $0x0  }
0x1f0: {  	[sflag:s0] =	ssyncadd.s32 @!p0 s1  }
0x1f1: {  	[bflag:$0x3] =	sbarrier.arrive $0xFFFF  }
0x1f2: {  	_ =	shalt  }

</sc_bundles>
